<compile_context>
chip_gen: v7x
topology: tpu7x:2x2x1
jax: 0.10.2.dev20260603
libtpu: 0.0.44.dev20260713+nightly
codegen_flags: <defaults>
</compile_context>

<pallas_src>
import jax
import jax.numpy as jnp
from jax.experimental import pallas as pl


def _lane_flip3(a):
    M, S, W = a.shape
    g = 128 if W % 128 == 0 else W
    idx = jax.lax.broadcasted_iota(jnp.int32, (M, S, g), 2)
    chunks = [
        jnp.take_along_axis(a[:, :, i * g:(i + 1) * g], (g - 1) - idx, axis=2)
        for i in range(W // g)
    ]
    return jnp.concatenate(chunks[::-1], axis=2) if len(chunks) > 1 else chunks[0]


def _rev_major3(a):
    M, S, W = a.shape
    if M % 8 == 0 and M > 8:
        g = M // 8
        a4 = a.reshape(g, 8, S, W)
        inner = jnp.concatenate([a4[:, 7 - i:8 - i] for i in range(8)], axis=1)
        outer = jnp.concatenate([inner[g - 1 - i:g - i] for i in range(g)],
                                axis=0)
        return outer.reshape(M, S, W)
    return jnp.concatenate([a[M - 1 - i:M - i] for i in range(M)], axis=0)


def _hbody(x_ref, o_ref):
    H = x_ref.shape[1]
    di = pl.program_id(2)
    odd = jax.lax.broadcasted_iota(jnp.int32, (H, 1, 1), 0) % 2 == 1
    B = x_ref[0, :, 0]

    @pl.when(di == 0)
    def _():
        o_ref[0, 0] = jnp.where(odd, _lane_flip3(B), B)

    @pl.when(di == 1)
    def _():
        o_ref[0, 0] = _rev_major3(jnp.where(odd, B, _lane_flip3(B)))


def _vbody(x_ref, _prev_ref, o_ref):
    _hbody(x_ref, o_ref)


def kernel(x_2d):
    N, H, W, C = x_2d.shape
    L = H * W
    CG = C // 8

    xin = jnp.transpose(x_2d, (0, 1, 3, 2)).reshape(N, H, CG, 8, W)
    xt = jnp.transpose(xin, (0, 4, 2, 3, 1))

    out_shape = jax.ShapeDtypeStruct((4 * N, CG, H, 8, W), x_2d.dtype)

    h_out = pl.pallas_call(
        _hbody,
        grid=(N, CG, 2),
        in_specs=[
            pl.BlockSpec((1, H, 1, 8, W), lambda n, cg, di: (n, 0, cg, 0, 0)),
        ],
        out_specs=pl.BlockSpec(
            (1, 1, H, 8, W), lambda n, cg, di: (di * N + n, cg, 0, 0, 0)),
        out_shape=out_shape,
    )(xin)

    full = pl.pallas_call(
        _vbody,
        grid=(N, CG, 2),
        in_specs=[
            pl.BlockSpec((1, W, 1, 8, H), lambda n, cg, di: (n, 0, cg, 0, 0)),
            pl.BlockSpec(memory_space=pl.ANY),
        ],
        out_specs=pl.BlockSpec(
            (1, 1, W, 8, H),
            lambda n, cg, di: (2 * N + di * N + n, cg, 0, 0, 0)),
        out_shape=out_shape,
        input_output_aliases={1: 0},
    )(xt, h_out)

    return jnp.transpose(full, (0, 2, 4, 1, 3)).reshape(4 * N, L, C)

# --- scband reference (transcript-rebuilt; emitter-appended) ---
"""Pipeline reference for scband-nsscan-44667659878741 (READ-ONLY COPY).

The authoritative reference and input builder live on the scoring server;
editing this copy changes nothing except your own understanding.
"""

import jax, jax.numpy as jnp
import numpy as np

STRIPE_WIDTH = 4
DIRECTIONS = ['h_fwd', 'h_bwd', 'v_fwd', 'v_bwd']
_IDX_CACHE = {}

def _build_nss_indices(H, W, stripe_width, direction):
    key = (H, W, stripe_width, direction)
    if key in _IDX_CACHE:
        return _IDX_CACHE[key]
    L = H * W
    idx = np.zeros(L, dtype=np.int64)
    pos = 0
    if direction.startswith('h'):
        num_stripes = (H + stripe_width - 1) // stripe_width
        for s in range(num_stripes):
            row_start = s * stripe_width
            row_end = min(row_start + stripe_width, H)
            for local_r, r in enumerate(range(row_start, row_end)):
                if local_r % 2 == 0:
                    for c in range(W):
                        idx[pos] = r * W + c
                        pos += 1
                else:
                    for c in range(W - 1, -1, -1):
                        idx[pos] = r * W + c
                        pos += 1
        if direction == 'h_bwd':
            idx = idx[::-1].copy()
    else:
        num_stripes = (W + stripe_width - 1) // stripe_width
        for s in range(num_stripes):
            col_start = s * stripe_width
            col_end = min(col_start + stripe_width, W)
            for local_c, c in enumerate(range(col_start, col_end)):
                if local_c % 2 == 0:
                    for r in range(H):
                        idx[pos] = r * W + c
                        pos += 1
                else:
                    for r in range(H - 1, -1, -1):
                        idx[pos] = r * W + c
                        pos += 1
        if direction == 'v_bwd':
            idx = idx[::-1].copy()
    arr = jnp.asarray(idx)
    _IDX_CACHE[key] = arr
    return arr


def setup_inputs(seed: int = 0) -> dict:
    key = jax.random.key(seed)
    x_2d = jax.random.normal(key, (2, 384, 384, 96), dtype=jnp.float32)
    return {'x_2d': x_2d}


def reference(x_2d):
    # NSScan.scan with shift=False: flatten spatial map via nested S-shaped
    # traversal in 4 directions and concatenate along batch dim.
    N, H, W, C = x_2d.shape
    L = H * W
    x_flat = x_2d.reshape(N, L, C)
    seqs = []
    for direction in DIRECTIONS:
        idx = _build_nss_indices(H, W, STRIPE_WIDTH, direction)
        seq = jnp.take(x_flat, idx, axis=1)
        seqs.append(seq)
    x_seqs = jnp.concatenate(seqs, axis=0)
    return x_seqs

if __name__ == "__main__":
    import jax
    _d = setup_inputs()
    print(jax.jit(kernel)(*tuple(_d.values())))

</pallas_src>

<mosaic_0001>
module attributes {stable_mosaic.version = 14 : i64} {
  func.func @_hbody(%arg0: i32, %arg1: i32, %arg2: i32, %arg3: memref<1x384x1x8x384xf32, #tpu.memory_space<vmem>>, %arg4: memref<1x1x384x8x384xf32, #tpu.memory_space<vmem>>) attributes {dimension_semantics = [#tpu.dimension_semantics<arbitrary>, #tpu.dimension_semantics<arbitrary>, #tpu.dimension_semantics<arbitrary>], iteration_bounds = array<i64: 2, 12, 2>, scalar_prefetch = 0 : i64, scratch_operands = 0 : i64, tpu.core_type = #tpu.core_type<tc>, window_params = [{transform_indices = @transform_0, window_bounds = array<i64: 1, 384, 1, 8, 384>}, {transform_indices = @transform_1, window_bounds = array<i64: 1, 1, 384, 8, 384>}]} {
    %iota3A = tpu.iota {dimensions = array<i32: 0>} : vector<384x1x1xi32>
    %jit3A = arith.constant 2 : i32
    %eq3A = arith.constant 0 : i32
    %eq3A_0 = arith.cmpi eq, %jit3A, %eq3A : i32
    %jit3A_1 = arith.constant 1 : i32
    %select_n3A = arith.select %eq3A_0, %jit3A_1, %jit3A : i32
    %rem3A = vector.broadcast %select_n3A : i32 to vector<384x1x1xi32>
    %rem3A_2 = arith.remsi %iota3A, %rem3A : vector<384x1x1xi32>
    %ne3A = arith.constant 0 : i32
    %ne3A_3 = vector.broadcast %ne3A : i32 to vector<384x1x1xi32>
    %ne3A_4 = arith.cmpi ne, %rem3A_2, %ne3A_3 : vector<384x1x1xi32>
    %lt3A = arith.constant 0 : i32
    %lt3A_5 = vector.broadcast %lt3A : i32 to vector<384x1x1xi32>
    %lt3A_6 = arith.cmpi slt, %rem3A_2, %lt3A_5 : vector<384x1x1xi32>
    %lt3A_7 = arith.constant 0 : i32
    %lt3A_8 = arith.cmpi slt, %select_n3A, %lt3A_7 : i32
    %ne3A_9 = vector.broadcast %lt3A_8 : i1 to vector<384x1x1xi1>
    %ne3A_10 = vector.broadcast %ne3A_9 : vector<384x1x1xi1> to vector<384x1x1xi1>
    %ne3A_11 = arith.xori %lt3A_6, %ne3A_10 : vector<384x1x1xi1>
    %and3A = arith.andi %ne3A_11, %ne3A_4 : vector<384x1x1xi1>
    %add3A = vector.broadcast %select_n3A : i32 to vector<384x1x1xi32>
    %add3A_12 = arith.addi %rem3A_2, %add3A : vector<384x1x1xi32>
    %select_n3A_13 = arith.select %and3A, %add3A_12, %rem3A_2 : vector<384x1x1xi1>, vector<384x1x1xi32>
    %eq3A_14 = arith.constant 1 : i32
    %eq3A_15 = vector.broadcast %eq3A_14 : i32 to vector<384x1x1xi32>
    %eq3A_16 = arith.cmpi eq, %select_n3A_13, %eq3A_15 : vector<384x1x1xi32>
    %get3A = arith.constant 0 : index
    %get3A_17 = arith.constant 0 : index
    %get3A_18 = arith.constant 0 : index
    %get3A_19 = arith.constant 0 : index
    %get3A_20 = arith.constant 0 : index
    %get3A_21 = vector.load %arg3[%get3A, %get3A_17, %get3A_18, %get3A_19, %get3A_20] : memref<1x384x1x8x384xf32, #tpu.memory_space<vmem>>, vector<1x384x1x8x384xf32>
    %get3A_22 = vector.shape_cast %get3A_21 : vector<1x384x1x8x384xf32> to vector<384x8x384xf32>
    %eq3A_23 = arith.constant 0 : i32
    %eq3A_24 = arith.cmpi eq, %arg2, %eq3A_23 : i32
    %convert_element_type3A = arith.extui %eq3A_24 : i1 to i32
    %cond3A = arith.constant 0 : i32
    %cond3A_25 = arith.cmpi ne, %convert_element_type3A, %cond3A : i32
    scf.if %cond3A_25 {
      %iota3A_31 = tpu.iota {dimensions = array<i32: 2>} : vector<384x8x128xi32>
      %slice3A = vector.extract_strided_slice %get3A_22 {offsets = [0, 0, 0], sizes = [384, 8, 128], strides = [1, 1, 1]} : vector<384x8x384xf32> to vector<384x8x128xf32>
      %sub3A = arith.constant 127 : i32
      %sub3A_32 = vector.broadcast %sub3A : i32 to vector<384x8x128xi32>
      %sub3A_33 = arith.subi %sub3A_32, %iota3A_31 : vector<384x8x128xi32>
      %lt3A_34 = arith.constant 0 : i32
      %lt3A_35 = vector.broadcast %lt3A_34 : i32 to vector<384x8x128xi32>
      %lt3A_36 = arith.cmpi slt, %sub3A_33, %lt3A_35 : vector<384x8x128xi32>
      %add3A_37 = arith.constant 128 : i32
      %add3A_38 = vector.broadcast %add3A_37 : i32 to vector<384x8x128xi32>
      %add3A_39 = arith.addi %sub3A_33, %add3A_38 : vector<384x8x128xi32>
      %select_n3A_40 = arith.select %lt3A_36, %add3A_39, %sub3A_33 : vector<384x8x128xi1>, vector<384x8x128xi32>
      %reshape3A = vector.shape_cast %select_n3A_40 : vector<384x8x128xi32> to vector<384x8x128x1xi32>
      %gather3A = vector.shape_cast %reshape3A : vector<384x8x128x1xi32> to vector<384x8x128xi32>
      %gather3A_41 = tpu.dynamic_gather %slice3A[%gather3A] in [2] : vector<384x8x128xf32>, vector<384x8x128xi32> -> vector<384x8x128xf32>
      %slice3A_42 = vector.extract_strided_slice %get3A_22 {offsets = [0, 0, 128], sizes = [384, 8, 128], strides = [1, 1, 1]} : vector<384x8x384xf32> to vector<384x8x128xf32>
      %sub3A_43 = arith.constant 127 : i32
      %sub3A_44 = vector.broadcast %sub3A_43 : i32 to vector<384x8x128xi32>
      %sub3A_45 = arith.subi %sub3A_44, %iota3A_31 : vector<384x8x128xi32>
      %lt3A_46 = arith.constant 0 : i32
      %lt3A_47 = vector.broadcast %lt3A_46 : i32 to vector<384x8x128xi32>
      %lt3A_48 = arith.cmpi slt, %sub3A_45, %lt3A_47 : vector<384x8x128xi32>
      %add3A_49 = arith.constant 128 : i32
      %add3A_50 = vector.broadcast %add3A_49 : i32 to vector<384x8x128xi32>
      %add3A_51 = arith.addi %sub3A_45, %add3A_50 : vector<384x8x128xi32>
      %select_n3A_52 = arith.select %lt3A_48, %add3A_51, %sub3A_45 : vector<384x8x128xi1>, vector<384x8x128xi32>
      %reshape3A_53 = vector.shape_cast %select_n3A_52 : vector<384x8x128xi32> to vector<384x8x128x1xi32>
      %gather3A_54 = vector.shape_cast %reshape3A_53 : vector<384x8x128x1xi32> to vector<384x8x128xi32>
      %gather3A_55 = tpu.dynamic_gather %slice3A_42[%gather3A_54] in [2] : vector<384x8x128xf32>, vector<384x8x128xi32> -> vector<384x8x128xf32>
      %slice3A_56 = vector.extract_strided_slice %get3A_22 {offsets = [0, 0, 256], sizes = [384, 8, 128], strides = [1, 1, 1]} : vector<384x8x384xf32> to vector<384x8x128xf32>
      %sub3A_57 = arith.constant 127 : i32
      %sub3A_58 = vector.broadcast %sub3A_57 : i32 to vector<384x8x128xi32>
      %sub3A_59 = arith.subi %sub3A_58, %iota3A_31 : vector<384x8x128xi32>
      %lt3A_60 = arith.constant 0 : i32
      %lt3A_61 = vector.broadcast %lt3A_60 : i32 to vector<384x8x128xi32>
      %lt3A_62 = arith.cmpi slt, %sub3A_59, %lt3A_61 : vector<384x8x128xi32>
      %add3A_63 = arith.constant 128 : i32
      %add3A_64 = vector.broadcast %add3A_63 : i32 to vector<384x8x128xi32>
      %add3A_65 = arith.addi %sub3A_59, %add3A_64 : vector<384x8x128xi32>
      %select_n3A_66 = arith.select %lt3A_62, %add3A_65, %sub3A_59 : vector<384x8x128xi1>, vector<384x8x128xi32>
      %reshape3A_67 = vector.shape_cast %select_n3A_66 : vector<384x8x128xi32> to vector<384x8x128x1xi32>
      %gather3A_68 = vector.shape_cast %reshape3A_67 : vector<384x8x128x1xi32> to vector<384x8x128xi32>
      %gather3A_69 = tpu.dynamic_gather %slice3A_56[%gather3A_68] in [2] : vector<384x8x128xf32>, vector<384x8x128xi32> -> vector<384x8x128xf32>
      %concatenate3A = tpu.concatenate %gather3A_69, %gather3A_55, %gather3A_41 in 2 : vector<384x8x128xf32>, vector<384x8x128xf32>, vector<384x8x128xf32> -> vector<384x8x384xf32>
      %broadcast_in_dim3A = vector.shape_cast %eq3A_16 : vector<384x1x1xi1> to vector<384x1x1xi1>
      %broadcast_in_dim3A_70 = vector.broadcast %broadcast_in_dim3A : vector<384x1x1xi1> to vector<384x8x384xi1>
      %select_n3A_71 = arith.select %broadcast_in_dim3A_70, %concatenate3A, %get3A_22 : vector<384x8x384xi1>, vector<384x8x384xf32>
      %swap3A = arith.constant 0 : index
      %swap3A_72 = arith.constant 0 : index
      %swap3A_73 = arith.constant 0 : index
      %swap3A_74 = arith.constant 0 : index
      %swap3A_75 = arith.constant 0 : index
      %swap3A_76 = vector.load %arg4[%swap3A, %swap3A_72, %swap3A_73, %swap3A_74, %swap3A_75] : memref<1x1x384x8x384xf32, #tpu.memory_space<vmem>>, vector<1x1x384x8x384xf32>
      %swap3A_77 = vector.shape_cast %swap3A_76 : vector<1x1x384x8x384xf32> to vector<384x8x384xf32>
      %swap3A_78 = vector.shape_cast %select_n3A_71 : vector<384x8x384xf32> to vector<1x1x384x8x384xf32>
      tpu.vector_store %arg4[%swap3A, %swap3A_72, %swap3A_73, %swap3A_74, %swap3A_75], %swap3A_78 {strides = array<i32>} : memref<1x1x384x8x384xf32, #tpu.memory_space<vmem>>, vector<1x1x384x8x384xf32>,
    } else {
    }
    %eq3A_26 = arith.constant 1 : i32
    %eq3A_27 = arith.cmpi eq, %arg2, %eq3A_26 : i32
    %convert_element_type3A_28 = arith.extui %eq3A_27 : i1 to i32
    %cond3A_29 = arith.constant 0 : i32
    %cond3A_30 = arith.cmpi ne, %convert_element_type3A_28, %cond3A_29 : i32
    scf.if %cond3A_30 {
      %iota3A_31 = tpu.iota {dimensions = array<i32: 2>} : vector<384x8x128xi32>
      %slice3A = vector.extract_strided_slice %get3A_22 {offsets = [0, 0, 0], sizes = [384, 8, 128], strides = [1, 1, 1]} : vector<384x8x384xf32> to vector<384x8x128xf32>
      %sub3A = arith.constant 127 : i32
      %sub3A_32 = vector.broadcast %sub3A : i32 to vector<384x8x128xi32>
      %sub3A_33 = arith.subi %sub3A_32, %iota3A_31 : vector<384x8x128xi32>
      %lt3A_34 = arith.constant 0 : i32
      %lt3A_35 = vector.broadcast %lt3A_34 : i32 to vector<384x8x128xi32>
      %lt3A_36 = arith.cmpi slt, %sub3A_33, %lt3A_35 : vector<384x8x128xi32>
      %add3A_37 = arith.constant 128 : i32
      %add3A_38 = vector.broadcast %add3A_37 : i32 to vector<384x8x128xi32>
      %add3A_39 = arith.addi %sub3A_33, %add3A_38 : vector<384x8x128xi32>
      %select_n3A_40 = arith.select %lt3A_36, %add3A_39, %sub3A_33 : vector<384x8x128xi1>, vector<384x8x128xi32>
      %reshape3A = vector.shape_cast %select_n3A_40 : vector<384x8x128xi32> to vector<384x8x128x1xi32>
      %gather3A = vector.shape_cast %reshape3A : vector<384x8x128x1xi32> to vector<384x8x128xi32>
      %gather3A_41 = tpu.dynamic_gather %slice3A[%gather3A] in [2] : vector<384x8x128xf32>, vector<384x8x128xi32> -> vector<384x8x128xf32>
      %slice3A_42 = vector.extract_strided_slice %get3A_22 {offsets = [0, 0, 128], sizes = [384, 8, 128], strides = [1, 1, 1]} : vector<384x8x384xf32> to vector<384x8x128xf32>
      %sub3A_43 = arith.constant 127 : i32
      %sub3A_44 = vector.broadcast %sub3A_43 : i32 to vector<384x8x128xi32>
      %sub3A_45 = arith.subi %sub3A_44, %iota3A_31 : vector<384x8x128xi32>
      %lt3A_46 = arith.constant 0 : i32
      %lt3A_47 = vector.broadcast %lt3A_46 : i32 to vector<384x8x128xi32>
      %lt3A_48 = arith.cmpi slt, %sub3A_45, %lt3A_47 : vector<384x8x128xi32>
      %add3A_49 = arith.constant 128 : i32
      %add3A_50 = vector.broadcast %add3A_49 : i32 to vector<384x8x128xi32>
      %add3A_51 = arith.addi %sub3A_45, %add3A_50 : vector<384x8x128xi32>
      %select_n3A_52 = arith.select %lt3A_48, %add3A_51, %sub3A_45 : vector<384x8x128xi1>, vector<384x8x128xi32>
      %reshape3A_53 = vector.shape_cast %select_n3A_52 : vector<384x8x128xi32> to vector<384x8x128x1xi32>
      %gather3A_54 = vector.shape_cast %reshape3A_53 : vector<384x8x128x1xi32> to vector<384x8x128xi32>
      %gather3A_55 = tpu.dynamic_gather %slice3A_42[%gather3A_54] in [2] : vector<384x8x128xf32>, vector<384x8x128xi32> -> vector<384x8x128xf32>
      %slice3A_56 = vector.extract_strided_slice %get3A_22 {offsets = [0, 0, 256], sizes = [384, 8, 128], strides = [1, 1, 1]} : vector<384x8x384xf32> to vector<384x8x128xf32>
      %sub3A_57 = arith.constant 127 : i32
      %sub3A_58 = vector.broadcast %sub3A_57 : i32 to vector<384x8x128xi32>
      %sub3A_59 = arith.subi %sub3A_58, %iota3A_31 : vector<384x8x128xi32>
      %lt3A_60 = arith.constant 0 : i32
      %lt3A_61 = vector.broadcast %lt3A_60 : i32 to vector<384x8x128xi32>
      %lt3A_62 = arith.cmpi slt, %sub3A_59, %lt3A_61 : vector<384x8x128xi32>
      %add3A_63 = arith.constant 128 : i32
      %add3A_64 = vector.broadcast %add3A_63 : i32 to vector<384x8x128xi32>
      %add3A_65 = arith.addi %sub3A_59, %add3A_64 : vector<384x8x128xi32>
      %select_n3A_66 = arith.select %lt3A_62, %add3A_65, %sub3A_59 : vector<384x8x128xi1>, vector<384x8x128xi32>
      %reshape3A_67 = vector.shape_cast %select_n3A_66 : vector<384x8x128xi32> to vector<384x8x128x1xi32>
      %gather3A_68 = vector.shape_cast %reshape3A_67 : vector<384x8x128x1xi32> to vector<384x8x128xi32>
      %gather3A_69 = tpu.dynamic_gather %slice3A_56[%gather3A_68] in [2] : vector<384x8x128xf32>, vector<384x8x128xi32> -> vector<384x8x128xf32>
      %concatenate3A = tpu.concatenate %gather3A_69, %gather3A_55, %gather3A_41 in 2 : vector<384x8x128xf32>, vector<384x8x128xf32>, vector<384x8x128xf32> -> vector<384x8x384xf32>
      %broadcast_in_dim3A = vector.shape_cast %eq3A_16 : vector<384x1x1xi1> to vector<384x1x1xi1>
      %broadcast_in_dim3A_70 = vector.broadcast %broadcast_in_dim3A : vector<384x1x1xi1> to vector<384x8x384xi1>
      %select_n3A_71 = arith.select %broadcast_in_dim3A_70, %get3A_22, %concatenate3A : vector<384x8x384xi1>, vector<384x8x384xf32>
      %reshape3A_72 = vector.shape_cast %select_n3A_71 : vector<384x8x384xf32> to vector<48x8x8x384xf32>
      %slice3A_73 = vector.extract_strided_slice %reshape3A_72 {offsets = [0, 7, 0, 0], sizes = [48, 1, 8, 384], strides = [1, 1, 1, 1]} : vector<48x8x8x384xf32> to vector<48x1x8x384xf32>
      %slice3A_74 = vector.extract_strided_slice %reshape3A_72 {offsets = [0, 6, 0, 0], sizes = [48, 1, 8, 384], strides = [1, 1, 1, 1]} : vector<48x8x8x384xf32> to vector<48x1x8x384xf32>
      %slice3A_75 = vector.extract_strided_slice %reshape3A_72 {offsets = [0, 5, 0, 0], sizes = [48, 1, 8, 384], strides = [1, 1, 1, 1]} : vector<48x8x8x384xf32> to vector<48x1x8x384xf32>
      %slice3A_76 = vector.extract_strided_slice %reshape3A_72 {offsets = [0, 4, 0, 0], sizes = [48, 1, 8, 384], strides = [1, 1, 1, 1]} : vector<48x8x8x384xf32> to vector<48x1x8x384xf32>
      %slice3A_77 = vector.extract_strided_slice %reshape3A_72 {offsets = [0, 3, 0, 0], sizes = [48, 1, 8, 384], strides = [1, 1, 1, 1]} : vector<48x8x8x384xf32> to vector<48x1x8x384xf32>
      %slice3A_78 = vector.extract_strided_slice %reshape3A_72 {offsets = [0, 2, 0, 0], sizes = [48, 1, 8, 384], strides = [1, 1, 1, 1]} : vector<48x8x8x384xf32> to vector<48x1x8x384xf32>
      %slice3A_79 = vector.extract_strided_slice %reshape3A_72 {offsets = [0, 1, 0, 0], sizes = [48, 1, 8, 384], strides = [1, 1, 1, 1]} : vector<48x8x8x384xf32> to vector<48x1x8x384xf32>
      %slice3A_80 = vector.extract_strided_slice %reshape3A_72 {offsets = [0, 0, 0, 0], sizes = [48, 1, 8, 384], strides = [1, 1, 1, 1]} : vector<48x8x8x384xf32> to vector<48x1x8x384xf32>
      %concatenate3A_81 = tpu.concatenate %slice3A_73, %slice3A_74, %slice3A_75, %slice3A_76, %slice3A_77, %slice3A_78, %slice3A_79, %slice3A_80 in 1 : vector<48x1x8x384xf32>, vector<48x1x8x384xf32>, vector<48x1x8x384xf32>, vector<48x1x8x384xf32>, vector<48x1x8x384xf32>, vector<48x1x8x384xf32>, vector<48x1x8x384xf32>, vector<48x1x8x384xf32> -> vector<48x8x8x384xf32>
      %slice3A_82 = vector.extract_strided_slice %concatenate3A_81 {offsets = [47, 0, 0, 0], sizes = [1, 8, 8, 384], strides = [1, 1, 1, 1]} : vector<48x8x8x384xf32> to vector<1x8x8x384xf32>
      %slice3A_83 = vector.extract_strided_slice %concatenate3A_81 {offsets = [46, 0, 0, 0], sizes = [1, 8, 8, 384], strides = [1, 1, 1, 1]} : vector<48x8x8x384xf32> to vector<1x8x8x384xf32>
      %slice3A_84 = vector.extract_strided_slice %concatenate3A_81 {offsets = [45, 0, 0, 0], sizes = [1, 8, 8, 384], strides = [1, 1, 1, 1]} : vector<48x8x8x384xf32> to vector<1x8x8x384xf32>
      %slice3A_85 = vector.extract_strided_slice %concatenate3A_81 {offsets = [44, 0, 0, 0], sizes = [1, 8, 8, 384], strides = [1, 1, 1, 1]} : vector<48x8x8x384xf32> to vector<1x8x8x384xf32>
      %slice3A_86 = vector.extract_strided_slice %concatenate3A_81 {offsets = [43, 0, 0, 0], sizes = [1, 8, 8, 384], strides = [1, 1, 1, 1]} : vector<48x8x8x384xf32> to vector<1x8x8x384xf32>
      %slice3A_87 = vector.extract_strided_slice %concatenate3A_81 {offsets = [42, 0, 0, 0], sizes = [1, 8, 8, 384], strides = [1, 1, 1, 1]} : vector<48x8x8x384xf32> to vector<1x8x8x384xf32>
      %slice3A_88 = vector.extract_strided_slice %concatenate3A_81 {offsets = [41, 0, 0, 0], sizes = [1, 8, 8, 384], strides = [1, 1, 1, 1]} : vector<48x8x8x384xf32> to vector<1x8x8x384xf32>
      %slice3A_89 = vector.extract_strided_slice %concatenate3A_81 {offsets = [40, 0, 0, 0], sizes = [1, 8, 8, 384], strides = [1, 1, 1, 1]} : vector<48x8x8x384xf32> to vector<1x8x8x384xf32>
      %slice3A_90 = vector.extract_strided_slice %concatenate3A_81 {offsets = [39, 0, 0, 0], sizes = [1, 8, 8, 384], strides = [1, 1, 1, 1]} : vector<48x8x8x384xf32> to vector<1x8x8x384xf32>
      %slice3A_91 = vector.extract_strided_slice %concatenate3A_81 {offsets = [38, 0, 0, 0], sizes = [1, 8, 8, 384], strides = [1, 1, 1, 1]} : vector<48x8x8x384xf32> to vector<1x8x8x384xf32>
      %slice3A_92 = vector.extract_strided_slice %concatenate3A_81 {offsets = [37, 0, 0, 0], sizes = [1, 8, 8, 384], strides = [1, 1, 1, 1]} : vector<48x8x8x384xf32> to vector<1x8x8x384xf32>
      %slice3A_93 = vector.extract_strided_slice %concatenate3A_81 {offsets = [36, 0, 0, 0], sizes = [1, 8, 8, 384], strides = [1, 1, 1, 1]} : vector<48x8x8x384xf32> to vector<1x8x8x384xf32>
      %slice3A_94 = vector.extract_strided_slice %concatenate3A_81 {offsets = [35, 0, 0, 0], sizes = [1, 8, 8, 384], strides = [1, 1, 1, 1]} : vector<48x8x8x384xf32> to vector<1x8x8x384xf32>
      %slice3A_95 = vector.extract_strided_slice %concatenate3A_81 {offsets = [34, 0, 0, 0], sizes = [1, 8, 8, 384], strides = [1, 1, 1, 1]} : vector<48x8x8x384xf32> to vector<1x8x8x384xf32>
      %slice3A_96 = vector.extract_strided_slice %concatenate3A_81 {offsets = [33, 0, 0, 0], sizes = [1, 8, 8, 384], strides = [1, 1, 1, 1]} : vector<48x8x8x384xf32> to vector<1x8x8x384xf32>
      %slice3A_97 = vector.extract_strided_slice %concatenate3A_81 {offsets = [32, 0, 0, 0], sizes = [1, 8, 8, 384], strides = [1, 1, 1, 1]} : vector<48x8x8x384xf32> to vector<1x8x8x384xf32>
      %slice3A_98 = vector.extract_strided_slice %concatenate3A_81 {offsets = [31, 0, 0, 0], sizes = [1, 8, 8, 384], strides = [1, 1, 1, 1]} : vector<48x8x8x384xf32> to vector<1x8x8x384xf32>
      %slice3A_99 = vector.extract_strided_slice %concatenate3A_81 {offsets = [30, 0, 0, 0], sizes = [1, 8, 8, 384], strides = [1, 1, 1, 1]} : vector<48x8x8x384xf32> to vector<1x8x8x384xf32>
      %slice3A_100 = vector.extract_strided_slice %concatenate3A_81 {offsets = [29, 0, 0, 0], sizes = [1, 8, 8, 384], strides = [1, 1, 1, 1]} : vector<48x8x8x384xf32> to vector<1x8x8x384xf32>
      %slice3A_101 = vector.extract_strided_slice %concatenate3A_81 {offsets = [28, 0, 0, 0], sizes = [1, 8, 8, 384], strides = [1, 1, 1, 1]} : vector<48x8x8x384xf32> to vector<1x8x8x384xf32>
      %slice3A_102 = vector.extract_strided_slice %concatenate3A_81 {offsets = [27, 0, 0, 0], sizes = [1, 8, 8, 384], strides = [1, 1, 1, 1]} : vector<48x8x8x384xf32> to vector<1x8x8x384xf32>
      %slice3A_103 = vector.extract_strided_slice %concatenate3A_81 {offsets = [26, 0, 0, 0], sizes = [1, 8, 8, 384], strides = [1, 1, 1, 1]} : vector<48x8x8x384xf32> to vector<1x8x8x384xf32>
      %slice3A_104 = vector.extract_strided_slice %concatenate3A_81 {offsets = [25, 0, 0, 0], sizes = [1, 8, 8, 384], strides = [1, 1, 1, 1]} : vector<48x8x8x384xf32> to vector<1x8x8x384xf32>
      %slice3A_105 = vector.extract_strided_slice %concatenate3A_81 {offsets = [24, 0, 0, 0], sizes = [1, 8, 8, 384], strides = [1, 1, 1, 1]} : vector<48x8x8x384xf32> to vector<1x8x8x384xf32>
      %slice3A_106 = vector.extract_strided_slice %concatenate3A_81 {offsets = [23, 0, 0, 0], sizes = [1, 8, 8, 384], strides = [1, 1, 1, 1]} : vector<48x8x8x384xf32> to vector<1x8x8x384xf32>
      %slice3A_107 = vector.extract_strided_slice %concatenate3A_81 {offsets = [22, 0, 0, 0], sizes = [1, 8, 8, 384], strides = [1, 1, 1, 1]} : vector<48x8x8x384xf32> to vector<1x8x8x384xf32>
      %slice3A_108 = vector.extract_strided_slice %concatenate3A_81 {offsets = [21, 0, 0, 0], sizes = [1, 8, 8, 384], strides = [1, 1, 1, 1]} : vector<48x8x8x384xf32> to vector<1x8x8x384xf32>
      %slice3A_109 = vector.extract_strided_slice %concatenate3A_81 {offsets = [20, 0, 0, 0], sizes = [1, 8, 8, 384], strides = [1, 1, 1, 1]} : vector<48x8x8x384xf32> to vector<1x8x8x384xf32>
      %slice3A_110 = vector.extract_strided_slice %concatenate3A_81 {offsets = [19, 0, 0, 0], sizes = [1, 8, 8, 384], strides = [1, 1, 1, 1]} : vector<48x8x8x384xf32> to vector<1x8x8x384xf32>
      %slice3A_111 = vector.extract_strided_slice %concatenate3A_81 {offsets = [18, 0, 0, 0], sizes = [1, 8, 8, 384], strides = [1, 1, 1, 1]} : vector<48x8x8x384xf32> to vector<1x8x8x384xf32>
      %slice3A_112 = vector.extract_strided_slice %concatenate3A_81 {offsets = [17, 0, 0, 0], sizes = [1, 8, 8, 384], strides = [1, 1, 1, 1]} : vector<48x8x8x384xf32> to vector<1x8x8x384xf32>
      %slice3A_113 = vector.extract_strided_slice %concatenate3A_81 {offsets = [16, 0, 0, 0], sizes = [1, 8, 8, 384], strides = [1, 1, 1, 1]} : vector<48x8x8x384xf32> to vector<1x8x8x384xf32>
      %slice3A_114 = vector.extract_strided_slice %concatenate3A_81 {offsets = [15, 0, 0, 0], sizes = [1, 8, 8, 384], strides = [1, 1, 1, 1]} : vector<48x8x8x384xf32> to vector<1x8x8x384xf32>
      %slice3A_115 = vector.extract_strided_slice %concatenate3A_81 {offsets = [14, 0, 0, 0], sizes = [1, 8, 8, 384], strides = [1, 1, 1, 1]} : vector<48x8x8x384xf32> to vector<1x8x8x384xf32>
      %slice3A_116 = vector.extract_strided_slice %concatenate3A_81 {offsets = [13, 0, 0, 0], sizes = [1, 8, 8, 384], strides = [1, 1, 1, 1]} : vector<48x8x8x384xf32> to vector<1x8x8x384xf32>
      %slice3A_117 = vector.extract_strided_slice %concatenate3A_81 {offsets = [12, 0, 0, 0], sizes = [1, 8, 8, 384], strides = [1, 1, 1, 1]} : vector<48x8x8x384xf32> to vector<1x8x8x384xf32>
      %slice3A_118 = vector.extract_strided_slice %concatenate3A_81 {offsets = [11, 0, 0, 0], sizes = [1, 8, 8, 384], strides = [1, 1, 1, 1]} : vector<48x8x8x384xf32> to vector<1x8x8x384xf32>
      %slice3A_119 = vector.extract_strided_slice %concatenate3A_81 {offsets = [10, 0, 0, 0], sizes = [1, 8, 8, 384], strides = [1, 1, 1, 1]} : vector<48x8x8x384xf32> to vector<1x8x8x384xf32>
      %slice3A_120 = vector.extract_strided_slice %concatenate3A_81 {offsets = [9, 0, 0, 0], sizes = [1, 8, 8, 384], strides = [1, 1, 1, 1]} : vector<48x8x8x384xf32> to vector<1x8x8x384xf32>
      %slice3A_121 = vector.extract_strided_slice %concatenate3A_81 {offsets = [8, 0, 0, 0], sizes = [1, 8, 8, 384], strides = [1, 1, 1, 1]} : vector<48x8x8x384xf32> to vector<1x8x8x384xf32>
      %slice3A_122 = vector.extract_strided_slice %concatenate3A_81 {offsets = [7, 0, 0, 0], sizes = [1, 8, 8, 384], strides = [1, 1, 1, 1]} : vector<48x8x8x384xf32> to vector<1x8x8x384xf32>
      %slice3A_123 = vector.extract_strided_slice %concatenate3A_81 {offsets = [6, 0, 0, 0], sizes = [1, 8, 8, 384], strides = [1, 1, 1, 1]} : vector<48x8x8x384xf32> to vector<1x8x8x384xf32>
      %slice3A_124 = vector.extract_strided_slice %concatenate3A_81 {offsets = [5, 0, 0, 0], sizes = [1, 8, 8, 384], strides = [1, 1, 1, 1]} : vector<48x8x8x384xf32> to vector<1x8x8x384xf32>
      %slice3A_125 = vector.extract_strided_slice %concatenate3A_81 {offsets = [4, 0, 0, 0], sizes = [1, 8, 8, 384], strides = [1, 1, 1, 1]} : vector<48x8x8x384xf32> to vector<1x8x8x384xf32>
      %slice3A_126 = vector.extract_strided_slice %concatenate3A_81 {offsets = [3, 0, 0, 0], sizes = [1, 8, 8, 384], strides = [1, 1, 1, 1]} : vector<48x8x8x384xf32> to vector<1x8x8x384xf32>
      %slice3A_127 = vector.extract_strided_slice %concatenate3A_81 {offsets = [2, 0, 0, 0], sizes = [1, 8, 8, 384], strides = [1, 1, 1, 1]} : vector<48x8x8x384xf32> to vector<1x8x8x384xf32>
      %slice3A_128 = vector.extract_strided_slice %concatenate3A_81 {offsets = [1, 0, 0, 0], sizes = [1, 8, 8, 384], strides = [1, 1, 1, 1]} : vector<48x8x8x384xf32> to vector<1x8x8x384xf32>
      %slice3A_129 = vector.extract_strided_slice %concatenate3A_81 {offsets = [0, 0, 0, 0], sizes = [1, 8, 8, 384], strides = [1, 1, 1, 1]} : vector<48x8x8x384xf32> to vector<1x8x8x384xf32>
      %concatenate3A_130 = tpu.concatenate %slice3A_82, %slice3A_83, %slice3A_84, %slice3A_85, %slice3A_86, %slice3A_87, %slice3A_88, %slice3A_89, %slice3A_90, %slice3A_91, %slice3A_92, %slice3A_93, %slice3A_94, %slice3A_95, %slice3A_96, %slice3A_97, %slice3A_98, %slice3A_99, %slice3A_100, %slice3A_101, %slice3A_102, %slice3A_103, %slice3A_104, %slice3A_105, %slice3A_106, %slice3A_107, %slice3A_108, %slice3A_109, %slice3A_110, %slice3A_111, %slice3A_112, %slice3A_113, %slice3A_114, %slice3A_115, %slice3A_116, %slice3A_117, %slice3A_118, %slice3A_119, %slice3A_120, %slice3A_121, %slice3A_122, %slice3A_123, %slice3A_124, %slice3A_125, %slice3A_126, %slice3A_127, %slice3A_128, %slice3A_129 in 0 : vector<1x8x8x384xf32>, vector<1x8x8x384xf32>, vector<1x8x8x384xf32>, vector<1x8x8x384xf32>, vector<1x8x8x384xf32>, vector<1x8x8x384xf32>, vector<1x8x8x384xf32>, vector<1x8x8x384xf32>, vector<1x8x8x384xf32>, vector<1x8x8x384xf32>, vector<1x8x8x384xf32>, vector<1x8x8x384xf32>, vector<1x8x8x384xf32>, vector<1x8x8x384xf32>, vector<1x8x8x384xf32>, vector<1x8x8x384xf32>, vector<1x8x8x384xf32>, vector<1x8x8x384xf32>, vector<1x8x8x384xf32>, vector<1x8x8x384xf32>, vector<1x8x8x384xf32>, vector<1x8x8x384xf32>, vector<1x8x8x384xf32>, vector<1x8x8x384xf32>, vector<1x8x8x384xf32>, vector<1x8x8x384xf32>, vector<1x8x8x384xf32>, vector<1x8x8x384xf32>, vector<1x8x8x384xf32>, vector<1x8x8x384xf32>, vector<1x8x8x384xf32>, vector<1x8x8x384xf32>, vector<1x8x8x384xf32>, vector<1x8x8x384xf32>, vector<1x8x8x384xf32>, vector<1x8x8x384xf32>, vector<1x8x8x384xf32>, vector<1x8x8x384xf32>, vector<1x8x8x384xf32>, vector<1x8x8x384xf32>, vector<1x8x8x384xf32>, vector<1x8x8x384xf32>, vector<1x8x8x384xf32>, vector<1x8x8x384xf32>, vector<1x8x8x384xf32>, vector<1x8x8x384xf32>, vector<1x8x8x384xf32>, vector<1x8x8x384xf32> -> vector<48x8x8x384xf32>
      %reshape3A_131 = vector.shape_cast %concatenate3A_130 : vector<48x8x8x384xf32> to vector<384x8x384xf32>
      %swap3A = arith.constant 0 : index
      %swap3A_132 = arith.constant 0 : index
      %swap3A_133 = arith.constant 0 : index
      %swap3A_134 = arith.constant 0 : index
      %swap3A_135 = arith.constant 0 : index
      %swap3A_136 = vector.load %arg4[%swap3A, %swap3A_132, %swap3A_133, %swap3A_134, %swap3A_135] : memref<1x1x384x8x384xf32, #tpu.memory_space<vmem>>, vector<1x1x384x8x384xf32>
      %swap3A_137 = vector.shape_cast %swap3A_136 : vector<1x1x384x8x384xf32> to vector<384x8x384xf32>
      %swap3A_138 = vector.shape_cast %reshape3A_131 : vector<384x8x384xf32> to vector<1x1x384x8x384xf32>
      tpu.vector_store %arg4[%swap3A, %swap3A_132, %swap3A_133, %swap3A_134, %swap3A_135], %swap3A_138 {strides = array<i32>} : memref<1x1x384x8x384xf32, #tpu.memory_space<vmem>>, vector<1x1x384x8x384xf32>,
    } else {
    }
    return
  }
  func.func @transform_0(%arg0: i32, %arg1: i32, %arg2: i32) -> (i32, i32, i32, i32, i32) {
    %c0_i32 = arith.constant 0 : i32
    %c0_i32_0 = arith.constant 0 : i32
    %c0_i32_1 = arith.constant 0 : i32
    %c0_i32_2 = arith.constant 0 : i32
    return %arg0, %c0_i32, %arg1, %c0_i32_0, %c0_i32_1 : i32, i32, i32, i32, i32
  }
  func.func @transform_1(%arg0: i32, %arg1: i32, %arg2: i32) -> (i32, i32, i32, i32, i32) {
    %mul3A = arith.constant 2 : i32
    %mul3A_0 = arith.muli %arg2, %mul3A : i32
    %add3A = arith.addi %mul3A_0, %arg0 : i32
    %c0_i32 = arith.constant 0 : i32
    %c0_i32_1 = arith.constant 0 : i32
    %c0_i32_2 = arith.constant 0 : i32
    %c0_i32_3 = arith.constant 0 : i32
    return %add3A, %arg1, %c0_i32, %c0_i32_1, %c0_i32_2 : i32, i32, i32, i32, i32
  }
}

module attributes {stable_mosaic.version = 14 : i64} {
  func.func @_vbody(%arg0: i32, %arg1: i32, %arg2: i32, %arg3: memref<1x384x1x8x384xf32, #tpu.memory_space<vmem>>, %arg4: memref<8x12x384x8x384xf32, #tpu.memory_space<any>>, %arg5: memref<1x1x384x8x384xf32, #tpu.memory_space<vmem>>) attributes {dimension_semantics = [#tpu.dimension_semantics<arbitrary>, #tpu.dimension_semantics<arbitrary>, #tpu.dimension_semantics<arbitrary>], iteration_bounds = array<i64: 2, 12, 2>, scalar_prefetch = 0 : i64, scratch_operands = 0 : i64, tpu.core_type = #tpu.core_type<tc>, window_params = [{transform_indices = @transform_0, window_bounds = array<i64: 1, 384, 1, 8, 384>}, {}, {transform_indices = @transform_2, window_bounds = array<i64: 1, 1, 384, 8, 384>}]} {
    %iota3A = tpu.iota {dimensions = array<i32: 0>} : vector<384x1x1xi32>
    %jit3A = arith.constant 2 : i32
    %eq3A = arith.constant 0 : i32
    %eq3A_0 = arith.cmpi eq, %jit3A, %eq3A : i32
    %jit3A_1 = arith.constant 1 : i32
    %select_n3A = arith.select %eq3A_0, %jit3A_1, %jit3A : i32
    %rem3A = vector.broadcast %select_n3A : i32 to vector<384x1x1xi32>
    %rem3A_2 = arith.remsi %iota3A, %rem3A : vector<384x1x1xi32>
    %ne3A = arith.constant 0 : i32
    %ne3A_3 = vector.broadcast %ne3A : i32 to vector<384x1x1xi32>
    %ne3A_4 = arith.cmpi ne, %rem3A_2, %ne3A_3 : vector<384x1x1xi32>
    %lt3A = arith.constant 0 : i32
    %lt3A_5 = vector.broadcast %lt3A : i32 to vector<384x1x1xi32>
    %lt3A_6 = arith.cmpi slt, %rem3A_2, %lt3A_5 : vector<384x1x1xi32>
    %lt3A_7 = arith.constant 0 : i32
    %lt3A_8 = arith.cmpi slt, %select_n3A, %lt3A_7 : i32
    %ne3A_9 = vector.broadcast %lt3A_8 : i1 to vector<384x1x1xi1>
    %ne3A_10 = vector.broadcast %ne3A_9 : vector<384x1x1xi1> to vector<384x1x1xi1>
    %ne3A_11 = arith.xori %lt3A_6, %ne3A_10 : vector<384x1x1xi1>
    %and3A = arith.andi %ne3A_11, %ne3A_4 : vector<384x1x1xi1>
    %add3A = vector.broadcast %select_n3A : i32 to vector<384x1x1xi32>
    %add3A_12 = arith.addi %rem3A_2, %add3A : vector<384x1x1xi32>
    %select_n3A_13 = arith.select %and3A, %add3A_12, %rem3A_2 : vector<384x1x1xi1>, vector<384x1x1xi32>
    %eq3A_14 = arith.constant 1 : i32
    %eq3A_15 = vector.broadcast %eq3A_14 : i32 to vector<384x1x1xi32>
    %eq3A_16 = arith.cmpi eq, %select_n3A_13, %eq3A_15 : vector<384x1x1xi32>
    %get3A = arith.constant 0 : index
    %get3A_17 = arith.constant 0 : index
    %get3A_18 = arith.constant 0 : index
    %get3A_19 = arith.constant 0 : index
    %get3A_20 = arith.constant 0 : index
    %get3A_21 = vector.load %arg3[%get3A, %get3A_17, %get3A_18, %get3A_19, %get3A_20] : memref<1x384x1x8x384xf32, #tpu.memory_space<vmem>>, vector<1x384x1x8x384xf32>
    %get3A_22 = vector.shape_cast %get3A_21 : vector<1x384x1x8x384xf32> to vector<384x8x384xf32>
    %eq3A_23 = arith.constant 0 : i32
    %eq3A_24 = arith.cmpi eq, %arg2, %eq3A_23 : i32
    %convert_element_type3A = arith.extui %eq3A_24 : i1 to i32
    %cond3A = arith.constant 0 : i32
    %cond3A_25 = arith.cmpi ne, %convert_element_type3A, %cond3A : i32
    scf.if %cond3A_25 {
      %iota3A_31 = tpu.iota {dimensions = array<i32: 2>} : vector<384x8x128xi32>
      %slice3A = vector.extract_strided_slice %get3A_22 {offsets = [0, 0, 0], sizes = [384, 8, 128], strides = [1, 1, 1]} : vector<384x8x384xf32> to vector<384x8x128xf32>
      %sub3A = arith.constant 127 : i32
      %sub3A_32 = vector.broadcast %sub3A : i32 to vector<384x8x128xi32>
      %sub3A_33 = arith.subi %sub3A_32, %iota3A_31 : vector<384x8x128xi32>
      %lt3A_34 = arith.constant 0 : i32
      %lt3A_35 = vector.broadcast %lt3A_34 : i32 to vector<384x8x128xi32>
      %lt3A_36 = arith.cmpi slt, %sub3A_33, %lt3A_35 : vector<384x8x128xi32>
      %add3A_37 = arith.constant 128 : i32
      %add3A_38 = vector.broadcast %add3A_37 : i32 to vector<384x8x128xi32>
      %add3A_39 = arith.addi %sub3A_33, %add3A_38 : vector<384x8x128xi32>
      %select_n3A_40 = arith.select %lt3A_36, %add3A_39, %sub3A_33 : vector<384x8x128xi1>, vector<384x8x128xi32>
      %reshape3A = vector.shape_cast %select_n3A_40 : vector<384x8x128xi32> to vector<384x8x128x1xi32>
      %gather3A = vector.shape_cast %reshape3A : vector<384x8x128x1xi32> to vector<384x8x128xi32>
      %gather3A_41 = tpu.dynamic_gather %slice3A[%gather3A] in [2] : vector<384x8x128xf32>, vector<384x8x128xi32> -> vector<384x8x128xf32>
      %slice3A_42 = vector.extract_strided_slice %get3A_22 {offsets = [0, 0, 128], sizes = [384, 8, 128], strides = [1, 1, 1]} : vector<384x8x384xf32> to vector<384x8x128xf32>
      %sub3A_43 = arith.constant 127 : i32
      %sub3A_44 = vector.broadcast %sub3A_43 : i32 to vector<384x8x128xi32>
      %sub3A_45 = arith.subi %sub3A_44, %iota3A_31 : vector<384x8x128xi32>
      %lt3A_46 = arith.constant 0 : i32
      %lt3A_47 = vector.broadcast %lt3A_46 : i32 to vector<384x8x128xi32>
      %lt3A_48 = arith.cmpi slt, %sub3A_45, %lt3A_47 : vector<384x8x128xi32>
      %add3A_49 = arith.constant 128 : i32
      %add3A_50 = vector.broadcast %add3A_49 : i32 to vector<384x8x128xi32>
      %add3A_51 = arith.addi %sub3A_45, %add3A_50 : vector<384x8x128xi32>
      %select_n3A_52 = arith.select %lt3A_48, %add3A_51, %sub3A_45 : vector<384x8x128xi1>, vector<384x8x128xi32>
      %reshape3A_53 = vector.shape_cast %select_n3A_52 : vector<384x8x128xi32> to vector<384x8x128x1xi32>
      %gather3A_54 = vector.shape_cast %reshape3A_53 : vector<384x8x128x1xi32> to vector<384x8x128xi32>
      %gather3A_55 = tpu.dynamic_gather %slice3A_42[%gather3A_54] in [2] : vector<384x8x128xf32>, vector<384x8x128xi32> -> vector<384x8x128xf32>
      %slice3A_56 = vector.extract_strided_slice %get3A_22 {offsets = [0, 0, 256], sizes = [384, 8, 128], strides = [1, 1, 1]} : vector<384x8x384xf32> to vector<384x8x128xf32>
      %sub3A_57 = arith.constant 127 : i32
      %sub3A_58 = vector.broadcast %sub3A_57 : i32 to vector<384x8x128xi32>
      %sub3A_59 = arith.subi %sub3A_58, %iota3A_31 : vector<384x8x128xi32>
      %lt3A_60 = arith.constant 0 : i32
      %lt3A_61 = vector.broadcast %lt3A_60 : i32 to vector<384x8x128xi32>
      %lt3A_62 = arith.cmpi slt, %sub3A_59, %lt3A_61 : vector<384x8x128xi32>
      %add3A_63 = arith.constant 128 : i32
      %add3A_64 = vector.broadcast %add3A_63 : i32 to vector<384x8x128xi32>
      %add3A_65 = arith.addi %sub3A_59, %add3A_64 : vector<384x8x128xi32>
      %select_n3A_66 = arith.select %lt3A_62, %add3A_65, %sub3A_59 : vector<384x8x128xi1>, vector<384x8x128xi32>
      %reshape3A_67 = vector.shape_cast %select_n3A_66 : vector<384x8x128xi32> to vector<384x8x128x1xi32>
      %gather3A_68 = vector.shape_cast %reshape3A_67 : vector<384x8x128x1xi32> to vector<384x8x128xi32>
      %gather3A_69 = tpu.dynamic_gather %slice3A_56[%gather3A_68] in [2] : vector<384x8x128xf32>, vector<384x8x128xi32> -> vector<384x8x128xf32>
      %concatenate3A = tpu.concatenate %gather3A_69, %gather3A_55, %gather3A_41 in 2 : vector<384x8x128xf32>, vector<384x8x128xf32>, vector<384x8x128xf32> -> vector<384x8x384xf32>
      %broadcast_in_dim3A = vector.shape_cast %eq3A_16 : vector<384x1x1xi1> to vector<384x1x1xi1>
      %broadcast_in_dim3A_70 = vector.broadcast %broadcast_in_dim3A : vector<384x1x1xi1> to vector<384x8x384xi1>
      %select_n3A_71 = arith.select %broadcast_in_dim3A_70, %concatenate3A, %get3A_22 : vector<384x8x384xi1>, vector<384x8x384xf32>
      %swap3A = arith.constant 0 : index
      %swap3A_72 = arith.constant 0 : index
      %swap3A_73 = arith.constant 0 : index
      %swap3A_74 = arith.constant 0 : index
      %swap3A_75 = arith.constant 0 : index
      %swap3A_76 = vector.load %arg5[%swap3A, %swap3A_72, %swap3A_73, %swap3A_74, %swap3A_75] : memref<1x1x384x8x384xf32, #tpu.memory_space<vmem>>, vector<1x1x384x8x384xf32>
      %swap3A_77 = vector.shape_cast %swap3A_76 : vector<1x1x384x8x384xf32> to vector<384x8x384xf32>
      %swap3A_78 = vector.shape_cast %select_n3A_71 : vector<384x8x384xf32> to vector<1x1x384x8x384xf32>
      tpu.vector_store %arg5[%swap3A, %swap3A_72, %swap3A_73, %swap3A_74, %swap3A_75], %swap3A_78 {strides = array<i32>} : memref<1x1x384x8x384xf32, #tpu.memory_space<vmem>>, vector<1x1x384x8x384xf32>,
    } else {
    }
    %eq3A_26 = arith.constant 1 : i32
    %eq3A_27 = arith.cmpi eq, %arg2, %eq3A_26 : i32
    %convert_element_type3A_28 = arith.extui %eq3A_27 : i1 to i32
    %cond3A_29 = arith.constant 0 : i32
    %cond3A_30 = arith.cmpi ne, %convert_element_type3A_28, %cond3A_29 : i32
    scf.if %cond3A_30 {
      %iota3A_31 = tpu.iota {dimensions = array<i32: 2>} : vector<384x8x128xi32>
      %slice3A = vector.extract_strided_slice %get3A_22 {offsets = [0, 0, 0], sizes = [384, 8, 128], strides = [1, 1, 1]} : vector<384x8x384xf32> to vector<384x8x128xf32>
      %sub3A = arith.constant 127 : i32
      %sub3A_32 = vector.broadcast %sub3A : i32 to vector<384x8x128xi32>
      %sub3A_33 = arith.subi %sub3A_32, %iota3A_31 : vector<384x8x128xi32>
      %lt3A_34 = arith.constant 0 : i32
      %lt3A_35 = vector.broadcast %lt3A_34 : i32 to vector<384x8x128xi32>
      %lt3A_36 = arith.cmpi slt, %sub3A_33, %lt3A_35 : vector<384x8x128xi32>
      %add3A_37 = arith.constant 128 : i32
      %add3A_38 = vector.broadcast %add3A_37 : i32 to vector<384x8x128xi32>
      %add3A_39 = arith.addi %sub3A_33, %add3A_38 : vector<384x8x128xi32>
      %select_n3A_40 = arith.select %lt3A_36, %add3A_39, %sub3A_33 : vector<384x8x128xi1>, vector<384x8x128xi32>
      %reshape3A = vector.shape_cast %select_n3A_40 : vector<384x8x128xi32> to vector<384x8x128x1xi32>
      %gather3A = vector.shape_cast %reshape3A : vector<384x8x128x1xi32> to vector<384x8x128xi32>
      %gather3A_41 = tpu.dynamic_gather %slice3A[%gather3A] in [2] : vector<384x8x128xf32>, vector<384x8x128xi32> -> vector<384x8x128xf32>
      %slice3A_42 = vector.extract_strided_slice %get3A_22 {offsets = [0, 0, 128], sizes = [384, 8, 128], strides = [1, 1, 1]} : vector<384x8x384xf32> to vector<384x8x128xf32>
      %sub3A_43 = arith.constant 127 : i32
      %sub3A_44 = vector.broadcast %sub3A_43 : i32 to vector<384x8x128xi32>
      %sub3A_45 = arith.subi %sub3A_44, %iota3A_31 : vector<384x8x128xi32>
      %lt3A_46 = arith.constant 0 : i32
      %lt3A_47 = vector.broadcast %lt3A_46 : i32 to vector<384x8x128xi32>
      %lt3A_48 = arith.cmpi slt, %sub3A_45, %lt3A_47 : vector<384x8x128xi32>
      %add3A_49 = arith.constant 128 : i32
      %add3A_50 = vector.broadcast %add3A_49 : i32 to vector<384x8x128xi32>
      %add3A_51 = arith.addi %sub3A_45, %add3A_50 : vector<384x8x128xi32>
      %select_n3A_52 = arith.select %lt3A_48, %add3A_51, %sub3A_45 : vector<384x8x128xi1>, vector<384x8x128xi32>
      %reshape3A_53 = vector.shape_cast %select_n3A_52 : vector<384x8x128xi32> to vector<384x8x128x1xi32>
      %gather3A_54 = vector.shape_cast %reshape3A_53 : vector<384x8x128x1xi32> to vector<384x8x128xi32>
      %gather3A_55 = tpu.dynamic_gather %slice3A_42[%gather3A_54] in [2] : vector<384x8x128xf32>, vector<384x8x128xi32> -> vector<384x8x128xf32>
      %slice3A_56 = vector.extract_strided_slice %get3A_22 {offsets = [0, 0, 256], sizes = [384, 8, 128], strides = [1, 1, 1]} : vector<384x8x384xf32> to vector<384x8x128xf32>
      %sub3A_57 = arith.constant 127 : i32
      %sub3A_58 = vector.broadcast %sub3A_57 : i32 to vector<384x8x128xi32>
      %sub3A_59 = arith.subi %sub3A_58, %iota3A_31 : vector<384x8x128xi32>
      %lt3A_60 = arith.constant 0 : i32
      %lt3A_61 = vector.broadcast %lt3A_60 : i32 to vector<384x8x128xi32>
      %lt3A_62 = arith.cmpi slt, %sub3A_59, %lt3A_61 : vector<384x8x128xi32>
      %add3A_63 = arith.constant 128 : i32
      %add3A_64 = vector.broadcast %add3A_63 : i32 to vector<384x8x128xi32>
      %add3A_65 = arith.addi %sub3A_59, %add3A_64 : vector<384x8x128xi32>
      %select_n3A_66 = arith.select %lt3A_62, %add3A_65, %sub3A_59 : vector<384x8x128xi1>, vector<384x8x128xi32>
      %reshape3A_67 = vector.shape_cast %select_n3A_66 : vector<384x8x128xi32> to vector<384x8x128x1xi32>
      %gather3A_68 = vector.shape_cast %reshape3A_67 : vector<384x8x128x1xi32> to vector<384x8x128xi32>
      %gather3A_69 = tpu.dynamic_gather %slice3A_56[%gather3A_68] in [2] : vector<384x8x128xf32>, vector<384x8x128xi32> -> vector<384x8x128xf32>
      %concatenate3A = tpu.concatenate %gather3A_69, %gather3A_55, %gather3A_41 in 2 : vector<384x8x128xf32>, vector<384x8x128xf32>, vector<384x8x128xf32> -> vector<384x8x384xf32>
      %broadcast_in_dim3A = vector.shape_cast %eq3A_16 : vector<384x1x1xi1> to vector<384x1x1xi1>
      %broadcast_in_dim3A_70 = vector.broadcast %broadcast_in_dim3A : vector<384x1x1xi1> to vector<384x8x384xi1>
      %select_n3A_71 = arith.select %broadcast_in_dim3A_70, %get3A_22, %concatenate3A : vector<384x8x384xi1>, vector<384x8x384xf32>
      %reshape3A_72 = vector.shape_cast %select_n3A_71 : vector<384x8x384xf32> to vector<48x8x8x384xf32>
      %slice3A_73 = vector.extract_strided_slice %reshape3A_72 {offsets = [0, 7, 0, 0], sizes = [48, 1, 8, 384], strides = [1, 1, 1, 1]} : vector<48x8x8x384xf32> to vector<48x1x8x384xf32>
      %slice3A_74 = vector.extract_strided_slice %reshape3A_72 {offsets = [0, 6, 0, 0], sizes = [48, 1, 8, 384], strides = [1, 1, 1, 1]} : vector<48x8x8x384xf32> to vector<48x1x8x384xf32>
      %slice3A_75 = vector.extract_strided_slice %reshape3A_72 {offsets = [0, 5, 0, 0], sizes = [48, 1, 8, 384], strides = [1, 1, 1, 1]} : vector<48x8x8x384xf32> to vector<48x1x8x384xf32>
      %slice3A_76 = vector.extract_strided_slice %reshape3A_72 {offsets = [0, 4, 0, 0], sizes = [48, 1, 8, 384], strides = [1, 1, 1, 1]} : vector<48x8x8x384xf32> to vector<48x1x8x384xf32>
      %slice3A_77 = vector.extract_strided_slice %reshape3A_72 {offsets = [0, 3, 0, 0], sizes = [48, 1, 8, 384], strides = [1, 1, 1, 1]} : vector<48x8x8x384xf32> to vector<48x1x8x384xf32>
      %slice3A_78 = vector.extract_strided_slice %reshape3A_72 {offsets = [0, 2, 0, 0], sizes = [48, 1, 8, 384], strides = [1, 1, 1, 1]} : vector<48x8x8x384xf32> to vector<48x1x8x384xf32>
      %slice3A_79 = vector.extract_strided_slice %reshape3A_72 {offsets = [0, 1, 0, 0], sizes = [48, 1, 8, 384], strides = [1, 1, 1, 1]} : vector<48x8x8x384xf32> to vector<48x1x8x384xf32>
      %slice3A_80 = vector.extract_strided_slice %reshape3A_72 {offsets = [0, 0, 0, 0], sizes = [48, 1, 8, 384], strides = [1, 1, 1, 1]} : vector<48x8x8x384xf32> to vector<48x1x8x384xf32>
      %concatenate3A_81 = tpu.concatenate %slice3A_73, %slice3A_74, %slice3A_75, %slice3A_76, %slice3A_77, %slice3A_78, %slice3A_79, %slice3A_80 in 1 : vector<48x1x8x384xf32>, vector<48x1x8x384xf32>, vector<48x1x8x384xf32>, vector<48x1x8x384xf32>, vector<48x1x8x384xf32>, vector<48x1x8x384xf32>, vector<48x1x8x384xf32>, vector<48x1x8x384xf32> -> vector<48x8x8x384xf32>
      %slice3A_82 = vector.extract_strided_slice %concatenate3A_81 {offsets = [47, 0, 0, 0], sizes = [1, 8, 8, 384], strides = [1, 1, 1, 1]} : vector<48x8x8x384xf32> to vector<1x8x8x384xf32>
      %slice3A_83 = vector.extract_strided_slice %concatenate3A_81 {offsets = [46, 0, 0, 0], sizes = [1, 8, 8, 384], strides = [1, 1, 1, 1]} : vector<48x8x8x384xf32> to vector<1x8x8x384xf32>
      %slice3A_84 = vector.extract_strided_slice %concatenate3A_81 {offsets = [45, 0, 0, 0], sizes = [1, 8, 8, 384], strides = [1, 1, 1, 1]} : vector<48x8x8x384xf32> to vector<1x8x8x384xf32>
      %slice3A_85 = vector.extract_strided_slice %concatenate3A_81 {offsets = [44, 0, 0, 0], sizes = [1, 8, 8, 384], strides = [1, 1, 1, 1]} : vector<48x8x8x384xf32> to vector<1x8x8x384xf32>
      %slice3A_86 = vector.extract_strided_slice %concatenate3A_81 {offsets = [43, 0, 0, 0], sizes = [1, 8, 8, 384], strides = [1, 1, 1, 1]} : vector<48x8x8x384xf32> to vector<1x8x8x384xf32>
      %slice3A_87 = vector.extract_strided_slice %concatenate3A_81 {offsets = [42, 0, 0, 0], sizes = [1, 8, 8, 384], strides = [1, 1, 1, 1]} : vector<48x8x8x384xf32> to vector<1x8x8x384xf32>
      %slice3A_88 = vector.extract_strided_slice %concatenate3A_81 {offsets = [41, 0, 0, 0], sizes = [1, 8, 8, 384], strides = [1, 1, 1, 1]} : vector<48x8x8x384xf32> to vector<1x8x8x384xf32>
      %slice3A_89 = vector.extract_strided_slice %concatenate3A_81 {offsets = [40, 0, 0, 0], sizes = [1, 8, 8, 384], strides = [1, 1, 1, 1]} : vector<48x8x8x384xf32> to vector<1x8x8x384xf32>
      %slice3A_90 = vector.extract_strided_slice %concatenate3A_81 {offsets = [39, 0, 0, 0], sizes = [1, 8, 8, 384], strides = [1, 1, 1, 1]} : vector<48x8x8x384xf32> to vector<1x8x8x384xf32>
      %slice3A_91 = vector.extract_strided_slice %concatenate3A_81 {offsets = [38, 0, 0, 0], sizes = [1, 8, 8, 384], strides = [1, 1, 1, 1]} : vector<48x8x8x384xf32> to vector<1x8x8x384xf32>
      %slice3A_92 = vector.extract_strided_slice %concatenate3A_81 {offsets = [37, 0, 0, 0], sizes = [1, 8, 8, 384], strides = [1, 1, 1, 1]} : vector<48x8x8x384xf32> to vector<1x8x8x384xf32>
      %slice3A_93 = vector.extract_strided_slice %concatenate3A_81 {offsets = [36, 0, 0, 0], sizes = [1, 8, 8, 384], strides = [1, 1, 1, 1]} : vector<48x8x8x384xf32> to vector<1x8x8x384xf32>
      %slice3A_94 = vector.extract_strided_slice %concatenate3A_81 {offsets = [35, 0, 0, 0], sizes = [1, 8, 8, 384], strides = [1, 1, 1, 1]} : vector<48x8x8x384xf32> to vector<1x8x8x384xf32>
      %slice3A_95 = vector.extract_strided_slice %concatenate3A_81 {offsets = [34, 0, 0, 0], sizes = [1, 8, 8, 384], strides = [1, 1, 1, 1]} : vector<48x8x8x384xf32> to vector<1x8x8x384xf32>
      %slice3A_96 = vector.extract_strided_slice %concatenate3A_81 {offsets = [33, 0, 0, 0], sizes = [1, 8, 8, 384], strides = [1, 1, 1, 1]} : vector<48x8x8x384xf32> to vector<1x8x8x384xf32>
      %slice3A_97 = vector.extract_strided_slice %concatenate3A_81 {offsets = [32, 0, 0, 0], sizes = [1, 8, 8, 384], strides = [1, 1, 1, 1]} : vector<48x8x8x384xf32> to vector<1x8x8x384xf32>
      %slice3A_98 = vector.extract_strided_slice %concatenate3A_81 {offsets = [31, 0, 0, 0], sizes = [1, 8, 8, 384], strides = [1, 1, 1, 1]} : vector<48x8x8x384xf32> to vector<1x8x8x384xf32>
      %slice3A_99 = vector.extract_strided_slice %concatenate3A_81 {offsets = [30, 0, 0, 0], sizes = [1, 8, 8, 384], strides = [1, 1, 1, 1]} : vector<48x8x8x384xf32> to vector<1x8x8x384xf32>
      %slice3A_100 = vector.extract_strided_slice %concatenate3A_81 {offsets = [29, 0, 0, 0], sizes = [1, 8, 8, 384], strides = [1, 1, 1, 1]} : vector<48x8x8x384xf32> to vector<1x8x8x384xf32>
      %slice3A_101 = vector.extract_strided_slice %concatenate3A_81 {offsets = [28, 0, 0, 0], sizes = [1, 8, 8, 384], strides = [1, 1, 1, 1]} : vector<48x8x8x384xf32> to vector<1x8x8x384xf32>
      %slice3A_102 = vector.extract_strided_slice %concatenate3A_81 {offsets = [27, 0, 0, 0], sizes = [1, 8, 8, 384], strides = [1, 1, 1, 1]} : vector<48x8x8x384xf32> to vector<1x8x8x384xf32>
      %slice3A_103 = vector.extract_strided_slice %concatenate3A_81 {offsets = [26, 0, 0, 0], sizes = [1, 8, 8, 384], strides = [1, 1, 1, 1]} : vector<48x8x8x384xf32> to vector<1x8x8x384xf32>
      %slice3A_104 = vector.extract_strided_slice %concatenate3A_81 {offsets = [25, 0, 0, 0], sizes = [1, 8, 8, 384], strides = [1, 1, 1, 1]} : vector<48x8x8x384xf32> to vector<1x8x8x384xf32>
      %slice3A_105 = vector.extract_strided_slice %concatenate3A_81 {offsets = [24, 0, 0, 0], sizes = [1, 8, 8, 384], strides = [1, 1, 1, 1]} : vector<48x8x8x384xf32> to vector<1x8x8x384xf32>
      %slice3A_106 = vector.extract_strided_slice %concatenate3A_81 {offsets = [23, 0, 0, 0], sizes = [1, 8, 8, 384], strides = [1, 1, 1, 1]} : vector<48x8x8x384xf32> to vector<1x8x8x384xf32>
      %slice3A_107 = vector.extract_strided_slice %concatenate3A_81 {offsets = [22, 0, 0, 0], sizes = [1, 8, 8, 384], strides = [1, 1, 1, 1]} : vector<48x8x8x384xf32> to vector<1x8x8x384xf32>
      %slice3A_108 = vector.extract_strided_slice %concatenate3A_81 {offsets = [21, 0, 0, 0], sizes = [1, 8, 8, 384], strides = [1, 1, 1, 1]} : vector<48x8x8x384xf32> to vector<1x8x8x384xf32>
      %slice3A_109 = vector.extract_strided_slice %concatenate3A_81 {offsets = [20, 0, 0, 0], sizes = [1, 8, 8, 384], strides = [1, 1, 1, 1]} : vector<48x8x8x384xf32> to vector<1x8x8x384xf32>
      %slice3A_110 = vector.extract_strided_slice %concatenate3A_81 {offsets = [19, 0, 0, 0], sizes = [1, 8, 8, 384], strides = [1, 1, 1, 1]} : vector<48x8x8x384xf32> to vector<1x8x8x384xf32>
      %slice3A_111 = vector.extract_strided_slice %concatenate3A_81 {offsets = [18, 0, 0, 0], sizes = [1, 8, 8, 384], strides = [1, 1, 1, 1]} : vector<48x8x8x384xf32> to vector<1x8x8x384xf32>
      %slice3A_112 = vector.extract_strided_slice %concatenate3A_81 {offsets = [17, 0, 0, 0], sizes = [1, 8, 8, 384], strides = [1, 1, 1, 1]} : vector<48x8x8x384xf32> to vector<1x8x8x384xf32>
      %slice3A_113 = vector.extract_strided_slice %concatenate3A_81 {offsets = [16, 0, 0, 0], sizes = [1, 8, 8, 384], strides = [1, 1, 1, 1]} : vector<48x8x8x384xf32> to vector<1x8x8x384xf32>
      %slice3A_114 = vector.extract_strided_slice %concatenate3A_81 {offsets = [15, 0, 0, 0], sizes = [1, 8, 8, 384], strides = [1, 1, 1, 1]} : vector<48x8x8x384xf32> to vector<1x8x8x384xf32>
      %slice3A_115 = vector.extract_strided_slice %concatenate3A_81 {offsets = [14, 0, 0, 0], sizes = [1, 8, 8, 384], strides = [1, 1, 1, 1]} : vector<48x8x8x384xf32> to vector<1x8x8x384xf32>
      %slice3A_116 = vector.extract_strided_slice %concatenate3A_81 {offsets = [13, 0, 0, 0], sizes = [1, 8, 8, 384], strides = [1, 1, 1, 1]} : vector<48x8x8x384xf32> to vector<1x8x8x384xf32>
      %slice3A_117 = vector.extract_strided_slice %concatenate3A_81 {offsets = [12, 0, 0, 0], sizes = [1, 8, 8, 384], strides = [1, 1, 1, 1]} : vector<48x8x8x384xf32> to vector<1x8x8x384xf32>
      %slice3A_118 = vector.extract_strided_slice %concatenate3A_81 {offsets = [11, 0, 0, 0], sizes = [1, 8, 8, 384], strides = [1, 1, 1, 1]} : vector<48x8x8x384xf32> to vector<1x8x8x384xf32>
      %slice3A_119 = vector.extract_strided_slice %concatenate3A_81 {offsets = [10, 0, 0, 0], sizes = [1, 8, 8, 384], strides = [1, 1, 1, 1]} : vector<48x8x8x384xf32> to vector<1x8x8x384xf32>
      %slice3A_120 = vector.extract_strided_slice %concatenate3A_81 {offsets = [9, 0, 0, 0], sizes = [1, 8, 8, 384], strides = [1, 1, 1, 1]} : vector<48x8x8x384xf32> to vector<1x8x8x384xf32>
      %slice3A_121 = vector.extract_strided_slice %concatenate3A_81 {offsets = [8, 0, 0, 0], sizes = [1, 8, 8, 384], strides = [1, 1, 1, 1]} : vector<48x8x8x384xf32> to vector<1x8x8x384xf32>
      %slice3A_122 = vector.extract_strided_slice %concatenate3A_81 {offsets = [7, 0, 0, 0], sizes = [1, 8, 8, 384], strides = [1, 1, 1, 1]} : vector<48x8x8x384xf32> to vector<1x8x8x384xf32>
      %slice3A_123 = vector.extract_strided_slice %concatenate3A_81 {offsets = [6, 0, 0, 0], sizes = [1, 8, 8, 384], strides = [1, 1, 1, 1]} : vector<48x8x8x384xf32> to vector<1x8x8x384xf32>
      %slice3A_124 = vector.extract_strided_slice %concatenate3A_81 {offsets = [5, 0, 0, 0], sizes = [1, 8, 8, 384], strides = [1, 1, 1, 1]} : vector<48x8x8x384xf32> to vector<1x8x8x384xf32>
      %slice3A_125 = vector.extract_strided_slice %concatenate3A_81 {offsets = [4, 0, 0, 0], sizes = [1, 8, 8, 384], strides = [1, 1, 1, 1]} : vector<48x8x8x384xf32> to vector<1x8x8x384xf32>
      %slice3A_126 = vector.extract_strided_slice %concatenate3A_81 {offsets = [3, 0, 0, 0], sizes = [1, 8, 8, 384], strides = [1, 1, 1, 1]} : vector<48x8x8x384xf32> to vector<1x8x8x384xf32>
      %slice3A_127 = vector.extract_strided_slice %concatenate3A_81 {offsets = [2, 0, 0, 0], sizes = [1, 8, 8, 384], strides = [1, 1, 1, 1]} : vector<48x8x8x384xf32> to vector<1x8x8x384xf32>
      %slice3A_128 = vector.extract_strided_slice %concatenate3A_81 {offsets = [1, 0, 0, 0], sizes = [1, 8, 8, 384], strides = [1, 1, 1, 1]} : vector<48x8x8x384xf32> to vector<1x8x8x384xf32>
      %slice3A_129 = vector.extract_strided_slice %concatenate3A_81 {offsets = [0, 0, 0, 0], sizes = [1, 8, 8, 384], strides = [1, 1, 1, 1]} : vector<48x8x8x384xf32> to vector<1x8x8x384xf32>
      %concatenate3A_130 = tpu.concatenate %slice3A_82, %slice3A_83, %slice3A_84, %slice3A_85, %slice3A_86, %slice3A_87, %slice3A_88, %slice3A_89, %slice3A_90, %slice3A_91, %slice3A_92, %slice3A_93, %slice3A_94, %slice3A_95, %slice3A_96, %slice3A_97, %slice3A_98, %slice3A_99, %slice3A_100, %slice3A_101, %slice3A_102, %slice3A_103, %slice3A_104, %slice3A_105, %slice3A_106, %slice3A_107, %slice3A_108, %slice3A_109, %slice3A_110, %slice3A_111, %slice3A_112, %slice3A_113, %slice3A_114, %slice3A_115, %slice3A_116, %slice3A_117, %slice3A_118, %slice3A_119, %slice3A_120, %slice3A_121, %slice3A_122, %slice3A_123, %slice3A_124, %slice3A_125, %slice3A_126, %slice3A_127, %slice3A_128, %slice3A_129 in 0 : vector<1x8x8x384xf32>, vector<1x8x8x384xf32>, vector<1x8x8x384xf32>, vector<1x8x8x384xf32>, vector<1x8x8x384xf32>, vector<1x8x8x384xf32>, vector<1x8x8x384xf32>, vector<1x8x8x384xf32>, vector<1x8x8x384xf32>, vector<1x8x8x384xf32>, vector<1x8x8x384xf32>, vector<1x8x8x384xf32>, vector<1x8x8x384xf32>, vector<1x8x8x384xf32>, vector<1x8x8x384xf32>, vector<1x8x8x384xf32>, vector<1x8x8x384xf32>, vector<1x8x8x384xf32>, vector<1x8x8x384xf32>, vector<1x8x8x384xf32>, vector<1x8x8x384xf32>, vector<1x8x8x384xf32>, vector<1x8x8x384xf32>, vector<1x8x8x384xf32>, vector<1x8x8x384xf32>, vector<1x8x8x384xf32>, vector<1x8x8x384xf32>, vector<1x8x8x384xf32>, vector<1x8x8x384xf32>, vector<1x8x8x384xf32>, vector<1x8x8x384xf32>, vector<1x8x8x384xf32>, vector<1x8x8x384xf32>, vector<1x8x8x384xf32>, vector<1x8x8x384xf32>, vector<1x8x8x384xf32>, vector<1x8x8x384xf32>, vector<1x8x8x384xf32>, vector<1x8x8x384xf32>, vector<1x8x8x384xf32>, vector<1x8x8x384xf32>, vector<1x8x8x384xf32>, vector<1x8x8x384xf32>, vector<1x8x8x384xf32>, vector<1x8x8x384xf32>, vector<1x8x8x384xf32>, vector<1x8x8x384xf32>, vector<1x8x8x384xf32> -> vector<48x8x8x384xf32>
      %reshape3A_131 = vector.shape_cast %concatenate3A_130 : vector<48x8x8x384xf32> to vector<384x8x384xf32>
      %swap3A = arith.constant 0 : index
      %swap3A_132 = arith.constant 0 : index
      %swap3A_133 = arith.constant 0 : index
      %swap3A_134 = arith.constant 0 : index
      %swap3A_135 = arith.constant 0 : index
      %swap3A_136 = vector.load %arg5[%swap3A, %swap3A_132, %swap3A_133, %swap3A_134, %swap3A_135] : memref<1x1x384x8x384xf32, #tpu.memory_space<vmem>>, vector<1x1x384x8x384xf32>
      %swap3A_137 = vector.shape_cast %swap3A_136 : vector<1x1x384x8x384xf32> to vector<384x8x384xf32>
      %swap3A_138 = vector.shape_cast %reshape3A_131 : vector<384x8x384xf32> to vector<1x1x384x8x384xf32>
      tpu.vector_store %arg5[%swap3A, %swap3A_132, %swap3A_133, %swap3A_134, %swap3A_135], %swap3A_138 {strides = array<i32>} : memref<1x1x384x8x384xf32, #tpu.memory_space<vmem>>, vector<1x1x384x8x384xf32>,
    } else {
    }
    return
  }
  func.func @transform_0(%arg0: i32, %arg1: i32, %arg2: i32) -> (i32, i32, i32, i32, i32) {
    %c0_i32 = arith.constant 0 : i32
    %c0_i32_0 = arith.constant 0 : i32
    %c0_i32_1 = arith.constant 0 : i32
    %c0_i32_2 = arith.constant 0 : i32
    return %arg0, %c0_i32, %arg1, %c0_i32_0, %c0_i32_1 : i32, i32, i32, i32, i32
  }
  func.func @transform_2(%arg0: i32, %arg1: i32, %arg2: i32) -> (i32, i32, i32, i32, i32) {
    %mul3A = arith.constant 2 : i32
    %mul3A_0 = arith.muli %arg2, %mul3A : i32
    %add3A = arith.constant 4 : i32
    %add3A_1 = arith.addi %add3A, %mul3A_0 : i32
    %add3A_2 = arith.addi %add3A_1, %arg0 : i32
    %c0_i32 = arith.constant 0 : i32
    %c0_i32_3 = arith.constant 0 : i32
    %c0_i32_4 = arith.constant 0 : i32
    %c0_i32_5 = arith.constant 0 : i32
    return %add3A_2, %arg1, %c0_i32, %c0_i32_3, %c0_i32_4 : i32, i32, i32, i32, i32
  }
}

</mosaic_0001>

<sc_bundles>
// kernel: sparse-core-data-format-call.cloned.1.call-start
scs
called_computation_lowered:
.L_overlay_start_0:
0x0: {  	s2 =	sld [smem:$0x3FD9]  }
0x1: {  	s3 =	sld [smem:$0x3FFE];
	_ =	sdelay $0x1  }
0x2: {  	s1 =	srdreg.scid  }
0x3: {  	s0 =	sand.u32 $0x1, s1  }
0x4: {  	s18 =	sshll.u32 s0, $0xA;
	s2 =	sadd.s32 s3, s2  }
0x5: {  	s2 =	sadd.s32 s2, s18  }
0x6: {  	[smem:$0x3FC7] =	sst s2  }
0x7: {  	_ = 	snop  }
0x8: {  	s2 =	sld [smem:$0x3FC9];
	(tm) =	ssettm $0x1  }
0x9: {  	s19 =	sld [smem:$0x3FFB];
	_ =	sdelay $0x3  }
0xa: {  	_ =	strace s19  }
0xb: {  	s3 =	sld [smem:$0x3FFC];
	_ =	sdelay $0x3  }
0xc: {  	_ =	strace s3  }
0xd: {  	s3 =	sld [smem:$0x3FFD];
	_ =	sdelay $0x3  }
0xe: {  	_ =	strace s3  }
0xf: {  	_ =	strace $0x8FFFFFFF  }
0x10: {  	s20 =	sld [smem:$0x3FDB];
	_ =	sdelay $0x1  }
0x11: {  	s4 =	simm.s32 $_scs_section_size  }
0x12: {  	s5 =	simm.s32 $_size__tile_overlayer_lowered;
	s6 =	simm.s32 $_tile_overlayer_lowered  }
0x13: {  	s23 =	simm.s32 $0x1BFF;
	s22 =	sshll.u32 s6, $0x1;
	s3 =	sadd.s32 s4, s20  }
0x14: {  	s7 =	simm.s32 $0x0;
	s21 =	sshll.u32 s5, $0x1;
	s5 =	sadd.s32 s22, s3  }
0x15: {  	[timem:s7], [sflag:s23] =	dma.local [hbm:s5], s21  }
0x16: {  	_ =	swait.ge [sflag:s23], s21  }
0x17: {  	s4 =	ssub.s32 $0x0, s21;
	[sflag:s23] =	ssyncset.done $0x0  }
0x18: {  	[sflag:s23] =	ssyncadd.s32 s4;
	_ =	sdelay $0x1  }
0x19: {  	s24 =	simm.s32 $0x1B8B  }
0x1a: {  	_ =	swait.ge [sflag:s24], $0x1  }
0x1b: {  	[sflag:s24] =	ssyncset.done $0x0  }
0x1c: {  	s26 =	simm.s32 $0x1B8E;
	s25 =	sld [smem:$0x3FFE];
	[sflag:s24] =	ssyncadd.s32 $0xFFFFFFFF  }
0x1d: {  	s27 =	simm.s32 $execute0_lowered;
	[smem:$0x3FD2] =	sst s26  }
0x1e: {  	s5 =	sshll.u32 s27, $0x1;
	_ =	strace $0x80000046;
	[dreg:$0x1] =	wrdreg $0xFFFFFFFF  }
0x1f: {  	s28 =	simm.s32 $_size_execute0_lowered;
	s3 =	sadd.s32 s3, s5;
	[dreg:$0x0] =	wrdreg $0x0  }
0x20: {  	s5 =	sshll.u32 s28, $0x1;
	[dreg:$0x2] =	wrdreg s3  }
0x21: {  	[dreg:$0x3] =	wrdreg s5  }
0x22: {  	[dreg:$0x4] =	wrdreg $0xC0  }
0x23: {  	_ =	task [dreg:s7], $0x5FFFF  }
0x24: {  	[dreg:$0x1] =	wrdreg $0xFFFFFFFF  }
0x25: {  	[dreg:$0x0] =	wrdreg $0x60  }
0x26: {  	[dreg:$0x2] =	wrdreg s2  }
0x27: {  	[dreg:$0x3] =	wrdreg s25  }
0x28: {  	[dreg:$0x4] =	wrdreg $0x9  }
0x29: {  	_ =	task.clear_ibuf [dreg:s7], $0x5FFFF;
	_ =	strace $0x90000046  }
0x2a: {  	s29 =	simm.s32 $0x9;
	_ =	strace $0x80000048  }
0x2b: {  	_ =	swait.ge [sflag:s29], $0x1  }
0x2c: {  	[sflag:s29] =	ssyncadd.s32 $0xFFFFFFFF  }
0x2d: {  	_ =	strace $0x90000048  }
0x2e: {  	_ =	sfence  }
0x2f: {  	s30 =	sld [smem:$0x0];
	_ =	sdelay $0x2  }
0x30: {  	s31 =	sshll.u32 s1, $0xD;
	s1 =	sshrl.u32 s1, $0x2  }
0x31: {  	s3 =	sand.u32 $0x4000, s31;
	s1 =	sadd.s32 s1, s30  }
0x32: {  	s0 =	sor.u32 s3, s0;
	s1 =	sshll.u32 s1, $0x11  }
0x33: {  	s0 =	sor.u32 s1, s0  }
0x34: {  	s0 =	sadd.s32 $0x8F2B, s0  }
0x35: {  	[sflag:s0] =	ssyncadd.remote.s32 $0x1  }
0x36: {  	_ =	sfence.sel $0xFFFF  }
0x37: {  	[dreg:$0x0] =	wrdreg $0xFFFFFFFF;
	(pc) =	sbr.abs _section_cstart, $3  }
0x38: {  	[dreg:$0x1] =	wrdreg $0xFFFFFFFF  }
0x39: {  	_ =	task.clear_ibuf [dreg:s7], $0x2FFFF;
	_ =	strace $0x9FFFFFFF  }
0x3a: {  	(tm) =	ssettm $0x7FFFFFFF  }
0x3b: {  	_ =	shalt  }
tec
execute0_lowered:
.L_overlay_start_1:
0x0: {  	(tag) =	ssettag $0x1  }
0x1: {  	s2 =	rddreg [dreg:$0x0]  }
0x2: {  	s4 =	rddreg [dreg:$0x1]  }
0x3: {  	s1 =	stileid.u32;
	s0 =	rddreg [dreg:$0x2]  }
0x4: {  	_ =	strace $0x80000047;
	s6 =	srdreg.scid;
	s31 =	simm.s32 $0x2  }
0x5: {  	s15 =	simm.s32 $0x0;
	p0 =	por $0x0, $0x0;
	s9 =	simm.s32 $0x9000  }
0x6: {  	s18 =	simm.s32 $0x0;
	s17 =	simm.s32 $0x0;
	s16 =	simm.s32 $0x0  }
0x7: {  	s10 =	simm.s32 $0x0;
	s12 =	simm.s32 $0x0;
	s3 =	sand.u32 $0x1, s1  }
0x8: {  	s14 =	simm.s32 $0x0;
	s6 =	sshll.u32 s6, $0x4;
	s5 =	ssub.s32 $0x2, s3  }
.Ltmp0:
0x9: {  	s7 =	sshrl.u32 s5, $0x1;
	s5 =	sand.u32 $0x1, s5;
	(pc) =	sbr.rel .LBB1_1-.Ltmp0, $4  }
0xa: {  	s4 =	sadd.s32 $0x400, s4;
	s8 =	sand.u32 $0x10, s6;
	s7 =	sadd.s32 s5, s7  }
0xb: {  	s30 =	sor.u32 s1, s8;
	s5 =	simm.s32 $0x1;
	s6 =	smul.u32 $0x36, s7  }
0xc: {  	s13 =	smov.u32 s3;
	[sflag:s5] =	ssyncpa.u1 $0x0;
	s7 =	sshrl.u32 s30, $0x1  }
0xd: {  	[sflag:s31] =	ssyncpa.u1 $0x0;
	s11 =	smov.u32 s7;
	s8 =	sor.u32 $0x1, s6  }
.LBB1_4:
0xe: {  	s24 =	sshrl.u32 s18, $0x3  }
0xf: {  	s25 =	sshll.u32 s17, $0x3;
	s24 =	smul.u32 $0xC00, s24  }
0x10: {  	s26 =	sshll.u32 s18, $0x7;
	s25 =	sand.u32 $0xFFFFFC00, s25  }
0x11: {  	s18 =	sand.u32 $0x380, s26;
	s24 =	sadd.s32 s25, s24  }
0x12: {  	s27 =	sand.u32 $0x7F, s17;
	s18 =	sor.u32 s18, s24  }
0x13: {  	v5 =	vld [tilespmem:s21+$0xFFFFFFD0];
	[tilespmem:s22+$0x2040 ss:$0x81] =	vst.msk $0xffff, v4;
	s17 =	sor.u32 s27, s18;
	s18 =	smulhi.u32 $0xAAAAAAAB, s18  }
0x14: {  	v58 =	vld [tilespmem:s21+$0xFFFFFFE0];
	[tilespmem:s22+$0x2850 ss:$0x81] =	vst.msk $0xffff, v3  }
0x15: {  	s23 =	sshra.s32 s23, $0x2;
	v59 =	vld [tilespmem:s21+$0xFFFFFFF0];
	[tilespmem:s22+$0x3060 ss:$0x81] =	vst.msk $0xffff, v2;
	s28 =	smulhi.u32 $0xAAAAAAAB, s17;
	s18 =	sshrl.u32 s18, $0x8  }
0x16: {  	v60 =	vld [tilespmem:s21+$0x0];
	[tilespmem:s22+$0x0 ss:$0x81] =	vst.msk $0xffff, v0;
	s20 =	sadd.s32 s23, s20;
	s30 =	smulhi.u32 $0x2AAAAAB, s18  }
0x17: {  	v61 =	vld [tilespmem:s21+$0x10];
	s16 =	smul.u32 $0x1B0000, s16;
	[tilespmem:s20+$0x3870 ss:$0x81] =	vst.msk $0xffff, v1  }
0x18: {  	v62 =	vld [tilespmem:s21+$0x20];
	[tilespmem:s20+$0x810 ss:$0x81] =	vst.msk $0xffff, v5;
	s29 =	sshrl.u32 s28, $0x8;
	s23 =	smul.u32 $0x60, s30  }
0x19: {  	v63 =	vld [tilespmem:s21+$0xFFFFFFC0];
	[tilespmem:s20+$0x1020 ss:$0x81] =	vst.msk $0xffff, v58;
	s22 =	smul.u32 $0x180, s29  }
0x1a: {  	s15 =	smul.u32 $0x1200, s15;
	[tilespmem:s20+$0x1830 ss:$0x81] =	vst.msk $0xffff, v59;
	s18 =	ssub.s32 s18, s23  }
0x1b: {  	s16 =	sadd.s32 s4, s16;
	[tilespmem:s20+$0x2040 ss:$0x81] =	vst.msk $0xffff, v60;
	s17 =	ssub.s32 s17, s22;
	s18 =	smul.u32 $0x30, s18  }
0x1c: {  	s15 =	sadd.s32 s15, s16;
	[tilespmem:s20+$0x2850 ss:$0x81] =	vst.msk $0xffff, v61;
	s31 =	sand.u32 $0x7, s17  }
0x1d: {  	[tilespmem:s20+$0x3060 ss:$0x81] =	vst.msk $0xffff, v62;
	s17 =	sshrl.u32 s17, $0x3;
	s16 =	sshll.u32 s31, $0x12;
	s15 =	sadd.s32 s18, s15  }
0x1e: {  	[tilespmem:s20+$0x0 ss:$0x81] =	vst.msk $0xffff, v63;
	s16 =	sor.u32 $0x80, s16;
	s15 =	sadd.s32 s17, s15  }
0x1f: {  	[hbm4b:s15+s16] =	stream.strided.scatter [tilespmem:s19], [sflag:$0x2], $0x4000, s9, s16, $0x20;
	[tilespmem:$0x10100] =	vst v63  }
.LBB1_5:
0x20: {  	s19 =	sadd.s32 $0x80, s10  }
0x21: {  	s15 =	sadd.s32 $0x10, s11;
	s20 =	smov.u32 s11;
	p2 =	sgt.s32 s19, $0x17F  }
0x22: {  	s20 =	smov.u32 @p2 s15  }
0x23: {  	s21 =	smov.u32 s12;
	s15 =	sadd.s32 $0x80, s12;
	p3 =	sgt.s32 s20, $0x5F  }
0x24: {  	s21 =	smov.u32 @p3 s15  }
0x25: {  	s22 =	smov.u32 s13;
	s15 =	sadd.s32 $0x2, s13;
	p4 =	sgt.s32 s21, $0x17F  }
0x26: {  	p1 =	slt.u32 s14, $0x2;
	s22 =	smov.u32 @p4 s15  }
0x27: {  	s18 =	smov.u32 s11;
	s19 =	simm.s32 @p2 $0x0;
	p2 =	sgt.s32 s22, $0x1  }
0x28: {  	s23 =	simm.s32 @!p1 $0x2;
	s22 =	smov.u32 @p2 s3;
	p2 =	sne.s32 s14, s8  }
.Ltmp1:
0x29: {  	s17 =	smov.u32 s12;
	_ =	swait.ge @!p1 [sflag:s23], $0x4000;
	(pc) =	sbr.rel @!p2 .LBB1_6-.Ltmp1, $4  }
0x2a: {  	s16 =	smov.u32 s13;
	[sflag:s23] =	ssyncset.done @!p1 $0x0;
	s20 =	smov.u32 @p3 s7  }
0x2b: {  	p0 =	por !p0, !p0;
	[sflag:s23] =	ssyncadd.s32 @!p1 $0xFFFFC000;
	s11 =	smov.u32 s20  }
0x2c: {  	s21 =	simm.s32 @p4 $0x0;
	s15 =	smov.u32 s10;
	s10 =	smov.u32 s19  }
0x2d: {  	s12 =	smov.u32 s21;
	s14 =	sadd.s32 $0x1, s14;
	s13 =	smov.u32 s22  }
.LBB1_1:
0x2e: {  	p1 =	sge.u32 s14, s6  }
0x2f: {  	s19 =	sshrl.u32 @!p1 s11, $0x3  }
0x30: {  	s20 =	sshll.u32 @!p1 s10, $0x3;
	s19 =	smul.u32 @!p1 $0xC00, s19  }
0x31: {  	s21 =	sshll.u32 @!p1 s11, $0x7;
	s20 =	sand.u32 @!p1 $0xFFFFFC00, s20  }
0x32: {  	s19 =	sadd.s32 @!p1 s19, s20;
	s20 =	sand.u32 @!p1 $0x380, s21  }
0x33: {  	s21 =	sand.u32 @!p1 $0x7F, s10;
	s19 =	sor.u32 @!p1 s20, s19  }
0x34: {  	s20 =	sor.u32 @!p1 s21, s19;
	s19 =	smulhi.u32 @!p1 $0xAAAAAAAB, s19;
	_ =	sdelay $0x1  }
0x35: {  	s21 =	smulhi.u32 @!p1 $0xAAAAAAAB, s20;
	s19 =	sshrl.u32 @!p1 s19, $0x8  }
0x36: {  	s22 =	smulhi.u32 @!p1 $0x2AAAAAB, s19  }
0x37: {  	s24 =	smul.u32 @!p1 $0x1B0000, s13  }
0x38: {  	s21 =	sshrl.u32 @!p1 s21, $0x8;
	s22 =	smul.u32 @!p1 $0x60, s22  }
0x39: {  	s31 =	sadd.s32 $0xFFFFFFFF, s14;
	s23 =	sxor.u32 @!p1 $0xFFFFFFFF, s14;
	s21 =	smul.u32 @!p1 $0x180, s21  }
0x3a: {  	s23 =	sshll.u32 @!p1 s23, $0xE;
	s19 =	ssub.s32 @!p1 s19, s22;
	s22 =	smul.u32 @!p1 $0x1200, s12  }
0x3b: {  	s20 =	ssub.s32 @!p1 s20, s21;
	s21 =	sadd.s32 @!p1 s2, s24;
	s19 =	smul.u32 @!p1 $0x30, s19  }
0x3c: {  	s23 =	sand.u32 @!p1 $0x4000, s23;
	s21 =	sadd.s32 @!p1 s22, s21;
	s22 =	sand.u32 @!p1 $0x7, s20  }
0x3d: {  	s20 =	sshrl.u32 @!p1 s20, $0x3;
	s19 =	sadd.s32 @!p1 s19, s21;
	s21 =	sshll.u32 @!p1 s22, $0x12  }
0x3e: {  	s19 =	sadd.s32 @!p1 s20, s19;
	s20 =	sor.u32 @!p1 $0x80, s21;
	s21 =	simm.s32 @!p1 $0x9000  }
0x3f: {  	[tilespmem:s23], [sflag:$0x1] =	stream.strided.gather @!p1 [hbm4b:s19+s20], $0x4000, s21, s20, $0x38;
	[tilespmem:$0x10100] =	vst v63  }
0x40: {  	p1 =	sge.u32 s31, s6  }
.Ltmp2:
0x41: {  	_ = 	snop;
	(pc) =	sbr.rel @p1 .LBB1_5-.Ltmp2, $1  }
0x42: {  	_ =	sdelay $0x3  }
0x43: {  	s19 =	simm.s32 $0x1  }
0x44: {  	_ =	swait.ge [sflag:s5], $0x4000;
	s19 =	simm.s32 @!p0 $0x0  }
0x45: {  	[sflag:s5] =	ssyncset.done $0x0;
	s20 =	sshll.u32 s19, $0xE  }
0x46: {  	[sflag:s5] =	ssyncadd.s32 $0xFFFFC000;
	s21 =	sor.u32 $0x40, s20  }
0x47: {  	s19 =	smul.u32 $0x10200, s19;
	v0 =	vld [tilespmem:s21+$0x30]  }
0x48: {  	v1 =	vld [tilespmem:s21+$0xFFFFFFD0]  }
0x49: {  	s19 =	sshrl.u32 s19, $0x2;
	v5 =	vld [tilespmem:s21+$0xFFFFFFE0]  }
0x4a: {  	v6 =	vld [tilespmem:s21+$0xFFFFFFF0];
	s20 =	sor.u32 $0x8000, s19  }
0x4b: {  	s31 =	sand.u32 $0x1, s14;
	v4 =	vld [tilespmem:s21+$0x0];
	s22 =	sadd.s32 $0x0, s20  }
0x4c: {  	v3 =	vld [tilespmem:s21+$0x10];
	s19 =	smul.u32 $0x10200, s31;
	[tilespmem:s22+$0x3870 ss:$0x81] =	vst.msk $0xffff, v0  }
0x4d: {  	v2 =	vld [tilespmem:s21+$0x20];
	[tilespmem:s22+$0x810 ss:$0x81] =	vst.msk $0xffff, v1  }
0x4e: {  	s19 =	sshrl.u32 s19, $0x2;
	v0 =	vld [tilespmem:s21+$0xFFFFFFC0];
	[tilespmem:s22+$0x1020 ss:$0x81] =	vst.msk $0xffff, v5;
	s21 =	sadd.s32 $0x80, s21  }
0x4f: {  	s23 =	simm.s32 $0x4;
	s24 =	simm.s32 $0x8;
	s19 =	sor.u32 $0x8000, s19;
	[tilespmem:s22+$0x1830 ss:$0x81] =	vst.msk $0xffff, v6;
	v1 =	vld [tilespmem:s21+$0x30]  }
.LBB1_3:
0x50: {  	p1 =	sne.s32 s24, $0x1FC;
	v5 =	vld [tilespmem:s21+$0xFFFFFFD0];
	[tilespmem:s22+$0x2040 ss:$0x81] =	vst.msk $0xffff, v4  }
0x51: {  	v6 =	vld [tilespmem:s21+$0xFFFFFFE0];
	[tilespmem:s22+$0x2850 ss:$0x81] =	vst.msk $0xffff, v3  }
0x52: {  	s25 =	sshra.s32 s23, $0x2;
	s23 =	smov.u32 s24;
	v7 =	vld [tilespmem:s21+$0xFFFFFFF0];
	[tilespmem:s22+$0x3060 ss:$0x81] =	vst.msk $0xffff, v2  }
.Ltmp3:
0x53: {  	v4 =	vld [tilespmem:s21+$0x0];
	[tilespmem:s22+$0x0 ss:$0x81] =	vst.msk $0xffff, v0;
	s22 =	sadd.s32 s25, s20;
	(pc) =	sbr.rel @p1 .LBB1_3-.Ltmp3, $4  }
0x54: {  	v3 =	vld [tilespmem:s21+$0x10];
	[tilespmem:s22+$0x3870 ss:$0x81] =	vst.msk $0xffff, v1  }
0x55: {  	[tilespmem:s22+$0x810 ss:$0x81] =	vst.msk $0xffff, v5;
	v2 =	vld [tilespmem:s21+$0x20]  }
0x56: {  	v0 =	vld [tilespmem:s21+$0xFFFFFFC0];
	[tilespmem:s22+$0x1020 ss:$0x81] =	vst.msk $0xffff, v6;
	s21 =	sadd.s32 $0x80, s21  }
0x57: {  	s24 =	sadd.s32 $0x4, s24;
	v1 =	vld [tilespmem:s21+$0x30];
	[tilespmem:s22+$0x1830 ss:$0x81] =	vst.msk $0xffff, v7  }
.Ltmp4:
0x58: {  	_ = 	snop;
	(pc) =	sbr.rel .LBB1_4-.Ltmp4, $1  }
0x59: {  	_ =	sdelay $0x3  }
.LBB1_6:
0x5a: {  	_ =	sfence.sel $0x180000  }
0x5b: {  	s2 =	simm.s32 $0x1;
	[bflag:$0x0] =	sbarrier.arrive $0xFFFF  }
0x5c: {  	s31 =	simm.s32 $0x2;
	[sflag:s2] =	ssyncpa.u1 $0x1  }
0x5d: {  	[sflag:s31] =	ssyncpa.u1 $0x1  }
0x5e: {  	p0 =	sne.s32 s1, $0x0;
	_ =	strace $0x90000047  }
0x5f: {  	s0 =	sadd.s32 @!p0 $0x100000, s0;
	[bflag:$0x2] =	sbarrier.arrive $0xFFFF  }
0x60: {  	[sflag:s0] =	ssyncadd.tile.s32 @!p0 $0x1;
	_ =	shalt  }
.Lfunc_end1:
_tile_overlayer_lowered:
.L_overlay_start_2:
0x61: {  	(tag) =	ssettag $0x2  }
0x62: {  	s0 =	rddreg [dreg:$0x0];
	s2 =	stileid.u32  }
0x63: {  	s1 =	rddreg [dreg:$0x1];
	p0 =	sne.s32 s2, $0x0  }
0x64: {  	s3 =	rddreg [dreg:$0x2];
	[bflag:$0x3] =	sbarrier.arrive $0xFFFF;
	s2 =	simm.s32 @!p0 $0x1C01  }
0x65: {  	[timem:s3], [sflag:s2] =	dma.local @!p0 [hbm:s0], s1  }
0x66: {  	s0 =	simm.s32 @!p0 $0x1  }
0x67: {  	_ =	swait.ge @!p0 [sflag:s0], s1  }
0x68: {  	s1 =	ssub.s32 @!p0 $0x0, s1;
	[sflag:s0] =	ssyncset.done @!p0 $0x0  }
0x69: {  	[sflag:s0] =	ssyncadd.s32 @!p0 s1  }
0x6a: {  	[bflag:$0x3] =	sbarrier.arrive $0xFFFF  }
0x6b: {  	_ =	shalt  }

</sc_bundles>
